<compile_context>
chip_gen: v7x
topology: tpu7x:2x2x1
jax: 0.10.2.dev20260603
libtpu: 0.0.44.dev20260713+nightly
codegen_flags: <defaults>
</compile_context>

<pallas_src>
import functools

import jax
import jax.numpy as jnp
from jax import lax
from jax.experimental import pallas as pl
from jax.experimental.pallas import tpu as pltpu
from jax.experimental.pallas import tpu_sc as plsc

_CHUNK_ROWS = 32
_NBUF = 2


def _make_sc_broadcast(batch: int, seq_len: int, d: int):
    info = plsc.get_sparse_core_info()
    nc, ns = info.num_cores, info.num_subcores
    nw = nc * ns
    assert seq_len % nw == 0
    rows_per_w = seq_len // nw
    r = min(_CHUNK_ROWS, rows_per_w)
    assert rows_per_w % r == 0
    nchunks = rows_per_w // r
    nbuf = min(_NBUF, nchunks)

    mesh = plsc.VectorSubcoreMesh(core_axis_name="c", subcore_axis_name="s")

    assert nbuf == 2 and nchunks >= 4 and nchunks % 2 == 0

    @functools.partial(
        pl.kernel,
        mesh=mesh,
        out_type=jax.ShapeDtypeStruct((batch, seq_len, d), jnp.float32),
        scratch_types=(
            [pltpu.VMEM((r, d), jnp.float32)] * nbuf
            + [pltpu.SemaphoreType.DMA] * (2 * nbuf)
        ),
    )
    def k(pe_hbm, out_hbm, buf0, buf1, g0, g1, s0, s1):
        bufs, gsem, ssem = [buf0, buf1], [g0, g1], [s0, s1]
        wid = lax.axis_index("s") * nc + lax.axis_index("c")
        base = wid * rows_per_w

        def gather(c, par):
            return pltpu.make_async_copy(
                pe_hbm.at[pl.ds(base + c * r, r)], bufs[par], gsem[par])

        def scatters(c, par):
            return [
                pltpu.make_async_copy(
                    bufs[par], out_hbm.at[b, pl.ds(base + c * r, r)], ssem[par])
                for b in range(batch)
            ]

        gather(0, 0).start()
        gather(0, 0).wait()
        gather(1, 1).start()
        for cp in scatters(0, 0):
            cp.start()

        @pl.loop(1, nchunks - 1, step=2)
        def _steady(c):
            for j in range(2):
                par = (1 + j) % 2
                cc = c + j
                gather(cc, par).wait()
                for cp in scatters(cc - 1, 1 - par):
                    cp.wait()
                gather(cc + 1, 1 - par).start()
                for cp in scatters(cc, par):
                    cp.start()

        last = nchunks - 1
        par = last % 2
        gather(last, par).wait()
        for cp in scatters(last - 1, 1 - par):
            cp.wait()
        for cp in scatters(last, par):
            cp.start()
        for cp in scatters(last, par):
            cp.wait()

    return k


def kernel(x, pos_embed):
    batch, seq_len = x.shape[0], x.shape[1]
    d = pos_embed.shape[1]
    return _make_sc_broadcast(batch, seq_len, d)(pos_embed)

# --- scband reference (transcript-rebuilt; emitter-appended) ---
"""Pipeline reference for scband-learnable-positional-encoding-1194000908681 (READ-ONLY COPY).

The authoritative reference and input builder live on the scoring server;
editing this copy changes nothing except your own understanding.
"""

import jax, jax.numpy as jnp
import numpy as np

D_MODEL = 1024
MAX_LEN = 8192

def setup_inputs(seed: int = 0) -> dict:
    key = jax.random.key(seed)
    k1, k2 = jax.random.split(key)
    x = jax.random.normal(k1, (4, 8192, D_MODEL), dtype=jnp.float32)
    # nn.Embedding default init: N(0, 1)
    pos_embed = jax.random.normal(k2, (MAX_LEN, D_MODEL), dtype=jnp.float32)
    return {"x": x, "pos_embed": pos_embed}

def reference(x, pos_embed):
    batch, seq_len = x.shape[0], x.shape[1]
    positions = jnp.arange(seq_len, dtype=jnp.int64 if jax.config.jax_enable_x64 else jnp.int32)
    pe = jnp.take(pos_embed, positions, axis=0)  # [seq_len, d_model]
    out = jnp.broadcast_to(pe[None, :, :], (batch, seq_len, pe.shape[-1]))
    return out

if __name__ == "__main__":
    import jax
    _d = setup_inputs()
    print(jax.jit(kernel)(*tuple(_d.values())))

</pallas_src>

<mosaic_0001>
#map = affine_map<(d0, d1) -> (0, 0)>
#map1 = affine_map<(d0, d1) -> (0, 0, 0)>
module attributes {stable_mosaic.version = 14 : i64} {
  func.func @k(%arg0: i32, %arg1: i32, %arg2: memref<8192x1024xf32, #tpu.memory_space<hbm>>, %arg3: memref<4x8192x1024xf32, #tpu.memory_space<hbm>>, %arg4: memref<32x1024xf32, #tpu.memory_space<vmem>>, %arg5: memref<32x1024xf32, #tpu.memory_space<vmem>>, %arg6: memref<!tpu.dma_semaphore, #tpu.memory_space<semaphore_mem>>, %arg7: memref<!tpu.dma_semaphore, #tpu.memory_space<semaphore_mem>>, %arg8: memref<!tpu.dma_semaphore, #tpu.memory_space<semaphore_mem>>, %arg9: memref<!tpu.dma_semaphore, #tpu.memory_space<semaphore_mem>>) attributes {dimension_semantics = [#tpu.dimension_semantics<core_parallel>, #tpu.dimension_semantics<subcore_parallel>], iteration_bounds = array<i64: 2, 16>, scalar_prefetch = 0 : i64, scratch_operands = 6 : i64, tpu.core_type = #tpu.core_type<sc_vector_subcore>, window_params = [{transform_indices = #map}, {transform_indices = #map1}]} {
    %mul3A = arith.constant 2 : i32
    %mul3A_0 = arith.muli %arg1, %mul3A : i32
    %add3A = arith.addi %mul3A_0, %arg0 : i32
    %mul3A_1 = arith.constant 256 : i32
    %mul3A_2 = arith.muli %add3A, %mul3A_1 : i32
    %add3A_3 = arith.constant 0 : i32
    %add3A_4 = arith.addi %mul3A_2, %add3A_3 : i32
    %dma_start3A = arith.constant 0 : i32
    %dma_start3A_5 = tpu.memref_slice %arg2[%add3A_4, %dma_start3A] : memref<8192x1024xf32, #tpu.memory_space<hbm>> -> memref<32x1024xf32, #tpu.memory_space<hbm>>
    %dma_start3A_6 = arith.constant 0 : i32
    %dma_start3A_7 = tpu.memref_slice %arg2[%add3A_4, %dma_start3A_6] : memref<8192x1024xf32, #tpu.memory_space<hbm>> -> memref<32x1024xf32, #tpu.memory_space<hbm>>
    tpu.enqueue_dma source(%dma_start3A_7 : memref<32x1024xf32, #tpu.memory_space<hbm>>) target(%arg4 : memref<32x1024xf32, #tpu.memory_space<vmem>>) target_semaphore(%arg6 : memref<!tpu.dma_semaphore, #tpu.memory_space<semaphore_mem>>)
    %add3A_8 = arith.constant 0 : i32
    %add3A_9 = arith.addi %mul3A_2, %add3A_8 : i32
    %dma_wait3A = arith.constant 0 : i32
    %dma_wait3A_10 = tpu.memref_slice %arg2[%add3A_9, %dma_wait3A] : memref<8192x1024xf32, #tpu.memory_space<hbm>> -> memref<32x1024xf32, #tpu.memory_space<hbm>>
    %dma_wait3A_11 = arith.constant 0 : i32
    %dma_wait3A_12 = tpu.memref_slice %arg2[%add3A_9, %dma_wait3A_11] : memref<8192x1024xf32, #tpu.memory_space<hbm>> -> memref<32x1024xf32, #tpu.memory_space<hbm>>
    tpu.wait_dma2 semaphore(%arg6 : memref<!tpu.dma_semaphore, #tpu.memory_space<semaphore_mem>>) src(%dma_wait3A_12 : memref<32x1024xf32, #tpu.memory_space<hbm>>) dst(%arg4 : memref<32x1024xf32, #tpu.memory_space<vmem>>)
    %add3A_13 = arith.constant 32 : i32
    %add3A_14 = arith.addi %mul3A_2, %add3A_13 : i32
    %dma_start3A_15 = arith.constant 0 : i32
    %dma_start3A_16 = tpu.memref_slice %arg2[%add3A_14, %dma_start3A_15] : memref<8192x1024xf32, #tpu.memory_space<hbm>> -> memref<32x1024xf32, #tpu.memory_space<hbm>>
    %dma_start3A_17 = arith.constant 0 : i32
    %dma_start3A_18 = tpu.memref_slice %arg2[%add3A_14, %dma_start3A_17] : memref<8192x1024xf32, #tpu.memory_space<hbm>> -> memref<32x1024xf32, #tpu.memory_space<hbm>>
    tpu.enqueue_dma source(%dma_start3A_18 : memref<32x1024xf32, #tpu.memory_space<hbm>>) target(%arg5 : memref<32x1024xf32, #tpu.memory_space<vmem>>) target_semaphore(%arg7 : memref<!tpu.dma_semaphore, #tpu.memory_space<semaphore_mem>>)
    %add3A_19 = arith.constant 0 : i32
    %add3A_20 = arith.addi %mul3A_2, %add3A_19 : i32
    %add3A_21 = arith.constant 0 : i32
    %add3A_22 = arith.addi %mul3A_2, %add3A_21 : i32
    %add3A_23 = arith.constant 0 : i32
    %add3A_24 = arith.addi %mul3A_2, %add3A_23 : i32
    %add3A_25 = arith.constant 0 : i32
    %add3A_26 = arith.addi %mul3A_2, %add3A_25 : i32
    %dma_start3A_27 = arith.constant 0 : i32
    %dma_start3A_28 = arith.constant 0 : i32
    %dma_start3A_29 = tpu.memref_slice %arg3[%dma_start3A_27, %add3A_20, %dma_start3A_28] : memref<4x8192x1024xf32, #tpu.memory_space<hbm>> -> memref<1x32x1024xf32, #tpu.memory_space<hbm>>
    %dma_start3A_30 = tpu.memref_squeeze %dma_start3A_29 : memref<1x32x1024xf32, #tpu.memory_space<hbm>> -> memref<32x1024xf32, #tpu.memory_space<hbm>>
    %dma_start3A_31 = arith.constant 0 : i32
    %dma_start3A_32 = tpu.memref_slice %arg3[%dma_start3A_27, %add3A_20, %dma_start3A_31] : memref<4x8192x1024xf32, #tpu.memory_space<hbm>> -> memref<1x32x1024xf32, #tpu.memory_space<hbm>>
    %dma_start3A_33 = tpu.memref_squeeze %dma_start3A_32 : memref<1x32x1024xf32, #tpu.memory_space<hbm>> -> memref<32x1024xf32, #tpu.memory_space<hbm>>
    tpu.enqueue_dma source(%arg4 : memref<32x1024xf32, #tpu.memory_space<vmem>>) target(%dma_start3A_33 : memref<32x1024xf32, #tpu.memory_space<hbm>>) target_semaphore(%arg8 : memref<!tpu.dma_semaphore, #tpu.memory_space<semaphore_mem>>)
    %dma_start3A_34 = arith.constant 1 : i32
    %dma_start3A_35 = arith.constant 0 : i32
    %dma_start3A_36 = tpu.memref_slice %arg3[%dma_start3A_34, %add3A_22, %dma_start3A_35] : memref<4x8192x1024xf32, #tpu.memory_space<hbm>> -> memref<1x32x1024xf32, #tpu.memory_space<hbm>>
    %dma_start3A_37 = tpu.memref_squeeze %dma_start3A_36 : memref<1x32x1024xf32, #tpu.memory_space<hbm>> -> memref<32x1024xf32, #tpu.memory_space<hbm>>
    %dma_start3A_38 = arith.constant 0 : i32
    %dma_start3A_39 = tpu.memref_slice %arg3[%dma_start3A_34, %add3A_22, %dma_start3A_38] : memref<4x8192x1024xf32, #tpu.memory_space<hbm>> -> memref<1x32x1024xf32, #tpu.memory_space<hbm>>
    %dma_start3A_40 = tpu.memref_squeeze %dma_start3A_39 : memref<1x32x1024xf32, #tpu.memory_space<hbm>> -> memref<32x1024xf32, #tpu.memory_space<hbm>>
    tpu.enqueue_dma source(%arg4 : memref<32x1024xf32, #tpu.memory_space<vmem>>) target(%dma_start3A_40 : memref<32x1024xf32, #tpu.memory_space<hbm>>) target_semaphore(%arg8 : memref<!tpu.dma_semaphore, #tpu.memory_space<semaphore_mem>>)
    %dma_start3A_41 = arith.constant 2 : i32
    %dma_start3A_42 = arith.constant 0 : i32
    %dma_start3A_43 = tpu.memref_slice %arg3[%dma_start3A_41, %add3A_24, %dma_start3A_42] : memref<4x8192x1024xf32, #tpu.memory_space<hbm>> -> memref<1x32x1024xf32, #tpu.memory_space<hbm>>
    %dma_start3A_44 = tpu.memref_squeeze %dma_start3A_43 : memref<1x32x1024xf32, #tpu.memory_space<hbm>> -> memref<32x1024xf32, #tpu.memory_space<hbm>>
    %dma_start3A_45 = arith.constant 0 : i32
    %dma_start3A_46 = tpu.memref_slice %arg3[%dma_start3A_41, %add3A_24, %dma_start3A_45] : memref<4x8192x1024xf32, #tpu.memory_space<hbm>> -> memref<1x32x1024xf32, #tpu.memory_space<hbm>>
    %dma_start3A_47 = tpu.memref_squeeze %dma_start3A_46 : memref<1x32x1024xf32, #tpu.memory_space<hbm>> -> memref<32x1024xf32, #tpu.memory_space<hbm>>
    tpu.enqueue_dma source(%arg4 : memref<32x1024xf32, #tpu.memory_space<vmem>>) target(%dma_start3A_47 : memref<32x1024xf32, #tpu.memory_space<hbm>>) target_semaphore(%arg8 : memref<!tpu.dma_semaphore, #tpu.memory_space<semaphore_mem>>)
    %dma_start3A_48 = arith.constant 3 : i32
    %dma_start3A_49 = arith.constant 0 : i32
    %dma_start3A_50 = tpu.memref_slice %arg3[%dma_start3A_48, %add3A_26, %dma_start3A_49] : memref<4x8192x1024xf32, #tpu.memory_space<hbm>> -> memref<1x32x1024xf32, #tpu.memory_space<hbm>>
    %dma_start3A_51 = tpu.memref_squeeze %dma_start3A_50 : memref<1x32x1024xf32, #tpu.memory_space<hbm>> -> memref<32x1024xf32, #tpu.memory_space<hbm>>
    %dma_start3A_52 = arith.constant 0 : i32
    %dma_start3A_53 = tpu.memref_slice %arg3[%dma_start3A_48, %add3A_26, %dma_start3A_52] : memref<4x8192x1024xf32, #tpu.memory_space<hbm>> -> memref<1x32x1024xf32, #tpu.memory_space<hbm>>
    %dma_start3A_54 = tpu.memref_squeeze %dma_start3A_53 : memref<1x32x1024xf32, #tpu.memory_space<hbm>> -> memref<32x1024xf32, #tpu.memory_space<hbm>>
    tpu.enqueue_dma source(%arg4 : memref<32x1024xf32, #tpu.memory_space<vmem>>) target(%dma_start3A_54 : memref<32x1024xf32, #tpu.memory_space<hbm>>) target_semaphore(%arg8 : memref<!tpu.dma_semaphore, #tpu.memory_space<semaphore_mem>>)
    %scan3A = arith.constant 0 : i32
    %scan3A_55 = arith.constant 3 : i32
    %scan3A_56 = arith.addi %scan3A, %scan3A_55 : i32
    %scan3A_57 = arith.constant 1 : i32
    scf.for %scan3A_173 = %scan3A to %scan3A_56 step %scan3A_57  : i32 {
      %mul3A_174 = arith.constant 2 : i32
      %mul3A_175 = arith.muli %scan3A_173, %mul3A_174 : i32
      %add3A_176 = arith.constant 1 : i32
      %add3A_177 = arith.addi %add3A_176, %mul3A_175 : i32
      %add3A_178 = arith.constant 0 : i32
      %add3A_179 = arith.addi %add3A_177, %add3A_178 : i32
      %mul3A_180 = arith.constant 32 : i32
      %mul3A_181 = arith.muli %add3A_179, %mul3A_180 : i32
      %add3A_182 = arith.addi %mul3A_2, %mul3A_181 : i32
      %dma_wait3A_183 = arith.constant 0 : i32
      %dma_wait3A_184 = tpu.memref_slice %arg2[%add3A_182, %dma_wait3A_183] : memref<8192x1024xf32, #tpu.memory_space<hbm>> -> memref<32x1024xf32, #tpu.memory_space<hbm>>
      %dma_wait3A_185 = arith.constant 0 : i32
      %dma_wait3A_186 = tpu.memref_slice %arg2[%add3A_182, %dma_wait3A_185] : memref<8192x1024xf32, #tpu.memory_space<hbm>> -> memref<32x1024xf32, #tpu.memory_space<hbm>>
      tpu.wait_dma2 semaphore(%arg7 : memref<!tpu.dma_semaphore, #tpu.memory_space<semaphore_mem>>) src(%dma_wait3A_186 : memref<32x1024xf32, #tpu.memory_space<hbm>>) dst(%arg5 : memref<32x1024xf32, #tpu.memory_space<vmem>>)
      %sub3A = arith.constant 1 : i32
      %sub3A_187 = arith.subi %add3A_179, %sub3A : i32
      %mul3A_188 = arith.constant 32 : i32
      %mul3A_189 = arith.muli %sub3A_187, %mul3A_188 : i32
      %add3A_190 = arith.addi %mul3A_2, %mul3A_189 : i32
      %mul3A_191 = arith.constant 32 : i32
      %mul3A_192 = arith.muli %sub3A_187, %mul3A_191 : i32
      %add3A_193 = arith.addi %mul3A_2, %mul3A_192 : i32
      %mul3A_194 = arith.constant 32 : i32
      %mul3A_195 = arith.muli %sub3A_187, %mul3A_194 : i32
      %add3A_196 = arith.addi %mul3A_2, %mul3A_195 : i32
      %mul3A_197 = arith.constant 32 : i32
      %mul3A_198 = arith.muli %sub3A_187, %mul3A_197 : i32
      %add3A_199 = arith.addi %mul3A_2, %mul3A_198 : i32
      %dma_wait3A_200 = arith.constant 0 : i32
      %dma_wait3A_201 = arith.constant 0 : i32
      %dma_wait3A_202 = tpu.memref_slice %arg3[%dma_wait3A_200, %add3A_190, %dma_wait3A_201] : memref<4x8192x1024xf32, #tpu.memory_space<hbm>> -> memref<1x32x1024xf32, #tpu.memory_space<hbm>>
      %dma_wait3A_203 = tpu.memref_squeeze %dma_wait3A_202 : memref<1x32x1024xf32, #tpu.memory_space<hbm>> -> memref<32x1024xf32, #tpu.memory_space<hbm>>
      %dma_wait3A_204 = arith.constant 0 : i32
      %dma_wait3A_205 = tpu.memref_slice %arg3[%dma_wait3A_200, %add3A_190, %dma_wait3A_204] : memref<4x8192x1024xf32, #tpu.memory_space<hbm>> -> memref<1x32x1024xf32, #tpu.memory_space<hbm>>
      %dma_wait3A_206 = tpu.memref_squeeze %dma_wait3A_205 : memref<1x32x1024xf32, #tpu.memory_space<hbm>> -> memref<32x1024xf32, #tpu.memory_space<hbm>>
      tpu.wait_dma2 semaphore(%arg8 : memref<!tpu.dma_semaphore, #tpu.memory_space<semaphore_mem>>) src(%arg4 : memref<32x1024xf32, #tpu.memory_space<vmem>>) dst(%dma_wait3A_206 : memref<32x1024xf32, #tpu.memory_space<hbm>>)
      %dma_wait3A_207 = arith.constant 1 : i32
      %dma_wait3A_208 = arith.constant 0 : i32
      %dma_wait3A_209 = tpu.memref_slice %arg3[%dma_wait3A_207, %add3A_193, %dma_wait3A_208] : memref<4x8192x1024xf32, #tpu.memory_space<hbm>> -> memref<1x32x1024xf32, #tpu.memory_space<hbm>>
      %dma_wait3A_210 = tpu.memref_squeeze %dma_wait3A_209 : memref<1x32x1024xf32, #tpu.memory_space<hbm>> -> memref<32x1024xf32, #tpu.memory_space<hbm>>
      %dma_wait3A_211 = arith.constant 0 : i32
      %dma_wait3A_212 = tpu.memref_slice %arg3[%dma_wait3A_207, %add3A_193, %dma_wait3A_211] : memref<4x8192x1024xf32, #tpu.memory_space<hbm>> -> memref<1x32x1024xf32, #tpu.memory_space<hbm>>
      %dma_wait3A_213 = tpu.memref_squeeze %dma_wait3A_212 : memref<1x32x1024xf32, #tpu.memory_space<hbm>> -> memref<32x1024xf32, #tpu.memory_space<hbm>>
      tpu.wait_dma2 semaphore(%arg8 : memref<!tpu.dma_semaphore, #tpu.memory_space<semaphore_mem>>) src(%arg4 : memref<32x1024xf32, #tpu.memory_space<vmem>>) dst(%dma_wait3A_213 : memref<32x1024xf32, #tpu.memory_space<hbm>>)
      %dma_wait3A_214 = arith.constant 2 : i32
      %dma_wait3A_215 = arith.constant 0 : i32
      %dma_wait3A_216 = tpu.memref_slice %arg3[%dma_wait3A_214, %add3A_196, %dma_wait3A_215] : memref<4x8192x1024xf32, #tpu.memory_space<hbm>> -> memref<1x32x1024xf32, #tpu.memory_space<hbm>>
      %dma_wait3A_217 = tpu.memref_squeeze %dma_wait3A_216 : memref<1x32x1024xf32, #tpu.memory_space<hbm>> -> memref<32x1024xf32, #tpu.memory_space<hbm>>
      %dma_wait3A_218 = arith.constant 0 : i32
      %dma_wait3A_219 = tpu.memref_slice %arg3[%dma_wait3A_214, %add3A_196, %dma_wait3A_218] : memref<4x8192x1024xf32, #tpu.memory_space<hbm>> -> memref<1x32x1024xf32, #tpu.memory_space<hbm>>
      %dma_wait3A_220 = tpu.memref_squeeze %dma_wait3A_219 : memref<1x32x1024xf32, #tpu.memory_space<hbm>> -> memref<32x1024xf32, #tpu.memory_space<hbm>>
      tpu.wait_dma2 semaphore(%arg8 : memref<!tpu.dma_semaphore, #tpu.memory_space<semaphore_mem>>) src(%arg4 : memref<32x1024xf32, #tpu.memory_space<vmem>>) dst(%dma_wait3A_220 : memref<32x1024xf32, #tpu.memory_space<hbm>>)
      %dma_wait3A_221 = arith.constant 3 : i32
      %dma_wait3A_222 = arith.constant 0 : i32
      %dma_wait3A_223 = tpu.memref_slice %arg3[%dma_wait3A_221, %add3A_199, %dma_wait3A_222] : memref<4x8192x1024xf32, #tpu.memory_space<hbm>> -> memref<1x32x1024xf32, #tpu.memory_space<hbm>>
      %dma_wait3A_224 = tpu.memref_squeeze %dma_wait3A_223 : memref<1x32x1024xf32, #tpu.memory_space<hbm>> -> memref<32x1024xf32, #tpu.memory_space<hbm>>
      %dma_wait3A_225 = arith.constant 0 : i32
      %dma_wait3A_226 = tpu.memref_slice %arg3[%dma_wait3A_221, %add3A_199, %dma_wait3A_225] : memref<4x8192x1024xf32, #tpu.memory_space<hbm>> -> memref<1x32x1024xf32, #tpu.memory_space<hbm>>
      %dma_wait3A_227 = tpu.memref_squeeze %dma_wait3A_226 : memref<1x32x1024xf32, #tpu.memory_space<hbm>> -> memref<32x1024xf32, #tpu.memory_space<hbm>>
      tpu.wait_dma2 semaphore(%arg8 : memref<!tpu.dma_semaphore, #tpu.memory_space<semaphore_mem>>) src(%arg4 : memref<32x1024xf32, #tpu.memory_space<vmem>>) dst(%dma_wait3A_227 : memref<32x1024xf32, #tpu.memory_space<hbm>>)
      %add3A_228 = arith.constant 1 : i32
      %add3A_229 = arith.addi %add3A_179, %add3A_228 : i32
      %mul3A_230 = arith.constant 32 : i32
      %mul3A_231 = arith.muli %add3A_229, %mul3A_230 : i32
      %add3A_232 = arith.addi %mul3A_2, %mul3A_231 : i32
      %dma_start3A_233 = arith.constant 0 : i32
      %dma_start3A_234 = tpu.memref_slice %arg2[%add3A_232, %dma_start3A_233] : memref<8192x1024xf32, #tpu.memory_space<hbm>> -> memref<32x1024xf32, #tpu.memory_space<hbm>>
      %dma_start3A_235 = arith.constant 0 : i32
      %dma_start3A_236 = tpu.memref_slice %arg2[%add3A_232, %dma_start3A_235] : memref<8192x1024xf32, #tpu.memory_space<hbm>> -> memref<32x1024xf32, #tpu.memory_space<hbm>>
      tpu.enqueue_dma source(%dma_start3A_236 : memref<32x1024xf32, #tpu.memory_space<hbm>>) target(%arg4 : memref<32x1024xf32, #tpu.memory_space<vmem>>) target_semaphore(%arg6 : memref<!tpu.dma_semaphore, #tpu.memory_space<semaphore_mem>>)
      %mul3A_237 = arith.constant 32 : i32
      %mul3A_238 = arith.muli %add3A_179, %mul3A_237 : i32
      %add3A_239 = arith.addi %mul3A_2, %mul3A_238 : i32
      %mul3A_240 = arith.constant 32 : i32
      %mul3A_241 = arith.muli %add3A_179, %mul3A_240 : i32
      %add3A_242 = arith.addi %mul3A_2, %mul3A_241 : i32
      %mul3A_243 = arith.constant 32 : i32
      %mul3A_244 = arith.muli %add3A_179, %mul3A_243 : i32
      %add3A_245 = arith.addi %mul3A_2, %mul3A_244 : i32
      %mul3A_246 = arith.constant 32 : i32
      %mul3A_247 = arith.muli %add3A_179, %mul3A_246 : i32
      %add3A_248 = arith.addi %mul3A_2, %mul3A_247 : i32
      %dma_start3A_249 = arith.constant 0 : i32
      %dma_start3A_250 = arith.constant 0 : i32
      %dma_start3A_251 = tpu.memref_slice %arg3[%dma_start3A_249, %add3A_239, %dma_start3A_250] : memref<4x8192x1024xf32, #tpu.memory_space<hbm>> -> memref<1x32x1024xf32, #tpu.memory_space<hbm>>
      %dma_start3A_252 = tpu.memref_squeeze %dma_start3A_251 : memref<1x32x1024xf32, #tpu.memory_space<hbm>> -> memref<32x1024xf32, #tpu.memory_space<hbm>>
      %dma_start3A_253 = arith.constant 0 : i32
      %dma_start3A_254 = tpu.memref_slice %arg3[%dma_start3A_249, %add3A_239, %dma_start3A_253] : memref<4x8192x1024xf32, #tpu.memory_space<hbm>> -> memref<1x32x1024xf32, #tpu.memory_space<hbm>>
      %dma_start3A_255 = tpu.memref_squeeze %dma_start3A_254 : memref<1x32x1024xf32, #tpu.memory_space<hbm>> -> memref<32x1024xf32, #tpu.memory_space<hbm>>
      tpu.enqueue_dma source(%arg5 : memref<32x1024xf32, #tpu.memory_space<vmem>>) target(%dma_start3A_255 : memref<32x1024xf32, #tpu.memory_space<hbm>>) target_semaphore(%arg9 : memref<!tpu.dma_semaphore, #tpu.memory_space<semaphore_mem>>)
      %dma_start3A_256 = arith.constant 1 : i32
      %dma_start3A_257 = arith.constant 0 : i32
      %dma_start3A_258 = tpu.memref_slice %arg3[%dma_start3A_256, %add3A_242, %dma_start3A_257] : memref<4x8192x1024xf32, #tpu.memory_space<hbm>> -> memref<1x32x1024xf32, #tpu.memory_space<hbm>>
      %dma_start3A_259 = tpu.memref_squeeze %dma_start3A_258 : memref<1x32x1024xf32, #tpu.memory_space<hbm>> -> memref<32x1024xf32, #tpu.memory_space<hbm>>
      %dma_start3A_260 = arith.constant 0 : i32
      %dma_start3A_261 = tpu.memref_slice %arg3[%dma_start3A_256, %add3A_242, %dma_start3A_260] : memref<4x8192x1024xf32, #tpu.memory_space<hbm>> -> memref<1x32x1024xf32, #tpu.memory_space<hbm>>
      %dma_start3A_262 = tpu.memref_squeeze %dma_start3A_261 : memref<1x32x1024xf32, #tpu.memory_space<hbm>> -> memref<32x1024xf32, #tpu.memory_space<hbm>>
      tpu.enqueue_dma source(%arg5 : memref<32x1024xf32, #tpu.memory_space<vmem>>) target(%dma_start3A_262 : memref<32x1024xf32, #tpu.memory_space<hbm>>) target_semaphore(%arg9 : memref<!tpu.dma_semaphore, #tpu.memory_space<semaphore_mem>>)
      %dma_start3A_263 = arith.constant 2 : i32
      %dma_start3A_264 = arith.constant 0 : i32
      %dma_start3A_265 = tpu.memref_slice %arg3[%dma_start3A_263, %add3A_245, %dma_start3A_264] : memref<4x8192x1024xf32, #tpu.memory_space<hbm>> -> memref<1x32x1024xf32, #tpu.memory_space<hbm>>
      %dma_start3A_266 = tpu.memref_squeeze %dma_start3A_265 : memref<1x32x1024xf32, #tpu.memory_space<hbm>> -> memref<32x1024xf32, #tpu.memory_space<hbm>>
      %dma_start3A_267 = arith.constant 0 : i32
      %dma_start3A_268 = tpu.memref_slice %arg3[%dma_start3A_263, %add3A_245, %dma_start3A_267] : memref<4x8192x1024xf32, #tpu.memory_space<hbm>> -> memref<1x32x1024xf32, #tpu.memory_space<hbm>>
      %dma_start3A_269 = tpu.memref_squeeze %dma_start3A_268 : memref<1x32x1024xf32, #tpu.memory_space<hbm>> -> memref<32x1024xf32, #tpu.memory_space<hbm>>
      tpu.enqueue_dma source(%arg5 : memref<32x1024xf32, #tpu.memory_space<vmem>>) target(%dma_start3A_269 : memref<32x1024xf32, #tpu.memory_space<hbm>>) target_semaphore(%arg9 : memref<!tpu.dma_semaphore, #tpu.memory_space<semaphore_mem>>)
      %dma_start3A_270 = arith.constant 3 : i32
      %dma_start3A_271 = arith.constant 0 : i32
      %dma_start3A_272 = tpu.memref_slice %arg3[%dma_start3A_270, %add3A_248, %dma_start3A_271] : memref<4x8192x1024xf32, #tpu.memory_space<hbm>> -> memref<1x32x1024xf32, #tpu.memory_space<hbm>>
      %dma_start3A_273 = tpu.memref_squeeze %dma_start3A_272 : memref<1x32x1024xf32, #tpu.memory_space<hbm>> -> memref<32x1024xf32, #tpu.memory_space<hbm>>
      %dma_start3A_274 = arith.constant 0 : i32
      %dma_start3A_275 = tpu.memref_slice %arg3[%dma_start3A_270, %add3A_248, %dma_start3A_274] : memref<4x8192x1024xf32, #tpu.memory_space<hbm>> -> memref<1x32x1024xf32, #tpu.memory_space<hbm>>
      %dma_start3A_276 = tpu.memref_squeeze %dma_start3A_275 : memref<1x32x1024xf32, #tpu.memory_space<hbm>> -> memref<32x1024xf32, #tpu.memory_space<hbm>>
      tpu.enqueue_dma source(%arg5 : memref<32x1024xf32, #tpu.memory_space<vmem>>) target(%dma_start3A_276 : memref<32x1024xf32, #tpu.memory_space<hbm>>) target_semaphore(%arg9 : memref<!tpu.dma_semaphore, #tpu.memory_space<semaphore_mem>>)
      %add3A_277 = arith.constant 1 : i32
      %add3A_278 = arith.addi %add3A_177, %add3A_277 : i32
      %mul3A_279 = arith.constant 32 : i32
      %mul3A_280 = arith.muli %add3A_278, %mul3A_279 : i32
      %add3A_281 = arith.addi %mul3A_2, %mul3A_280 : i32
      %dma_wait3A_282 = arith.constant 0 : i32
      %dma_wait3A_283 = tpu.memref_slice %arg2[%add3A_281, %dma_wait3A_282] : memref<8192x1024xf32, #tpu.memory_space<hbm>> -> memref<32x1024xf32, #tpu.memory_space<hbm>>
      %dma_wait3A_284 = arith.constant 0 : i32
      %dma_wait3A_285 = tpu.memref_slice %arg2[%add3A_281, %dma_wait3A_284] : memref<8192x1024xf32, #tpu.memory_space<hbm>> -> memref<32x1024xf32, #tpu.memory_space<hbm>>
      tpu.wait_dma2 semaphore(%arg6 : memref<!tpu.dma_semaphore, #tpu.memory_space<semaphore_mem>>) src(%dma_wait3A_285 : memref<32x1024xf32, #tpu.memory_space<hbm>>) dst(%arg4 : memref<32x1024xf32, #tpu.memory_space<vmem>>)
      %sub3A_286 = arith.constant 1 : i32
      %sub3A_287 = arith.subi %add3A_278, %sub3A_286 : i32
      %mul3A_288 = arith.constant 32 : i32
      %mul3A_289 = arith.muli %sub3A_287, %mul3A_288 : i32
      %add3A_290 = arith.addi %mul3A_2, %mul3A_289 : i32
      %mul3A_291 = arith.constant 32 : i32
      %mul3A_292 = arith.muli %sub3A_287, %mul3A_291 : i32
      %add3A_293 = arith.addi %mul3A_2, %mul3A_292 : i32
      %mul3A_294 = arith.constant 32 : i32
      %mul3A_295 = arith.muli %sub3A_287, %mul3A_294 : i32
      %add3A_296 = arith.addi %mul3A_2, %mul3A_295 : i32
      %mul3A_297 = arith.constant 32 : i32
      %mul3A_298 = arith.muli %sub3A_287, %mul3A_297 : i32
      %add3A_299 = arith.addi %mul3A_2, %mul3A_298 : i32
      %dma_wait3A_300 = arith.constant 0 : i32
      %dma_wait3A_301 = arith.constant 0 : i32
      %dma_wait3A_302 = tpu.memref_slice %arg3[%dma_wait3A_300, %add3A_290, %dma_wait3A_301] : memref<4x8192x1024xf32, #tpu.memory_space<hbm>> -> memref<1x32x1024xf32, #tpu.memory_space<hbm>>
      %dma_wait3A_303 = tpu.memref_squeeze %dma_wait3A_302 : memref<1x32x1024xf32, #tpu.memory_space<hbm>> -> memref<32x1024xf32, #tpu.memory_space<hbm>>
      %dma_wait3A_304 = arith.constant 0 : i32
      %dma_wait3A_305 = tpu.memref_slice %arg3[%dma_wait3A_300, %add3A_290, %dma_wait3A_304] : memref<4x8192x1024xf32, #tpu.memory_space<hbm>> -> memref<1x32x1024xf32, #tpu.memory_space<hbm>>
      %dma_wait3A_306 = tpu.memref_squeeze %dma_wait3A_305 : memref<1x32x1024xf32, #tpu.memory_space<hbm>> -> memref<32x1024xf32, #tpu.memory_space<hbm>>
      tpu.wait_dma2 semaphore(%arg9 : memref<!tpu.dma_semaphore, #tpu.memory_space<semaphore_mem>>) src(%arg5 : memref<32x1024xf32, #tpu.memory_space<vmem>>) dst(%dma_wait3A_306 : memref<32x1024xf32, #tpu.memory_space<hbm>>)
      %dma_wait3A_307 = arith.constant 1 : i32
      %dma_wait3A_308 = arith.constant 0 : i32
      %dma_wait3A_309 = tpu.memref_slice %arg3[%dma_wait3A_307, %add3A_293, %dma_wait3A_308] : memref<4x8192x1024xf32, #tpu.memory_space<hbm>> -> memref<1x32x1024xf32, #tpu.memory_space<hbm>>
      %dma_wait3A_310 = tpu.memref_squeeze %dma_wait3A_309 : memref<1x32x1024xf32, #tpu.memory_space<hbm>> -> memref<32x1024xf32, #tpu.memory_space<hbm>>
      %dma_wait3A_311 = arith.constant 0 : i32
      %dma_wait3A_312 = tpu.memref_slice %arg3[%dma_wait3A_307, %add3A_293, %dma_wait3A_311] : memref<4x8192x1024xf32, #tpu.memory_space<hbm>> -> memref<1x32x1024xf32, #tpu.memory_space<hbm>>
      %dma_wait3A_313 = tpu.memref_squeeze %dma_wait3A_312 : memref<1x32x1024xf32, #tpu.memory_space<hbm>> -> memref<32x1024xf32, #tpu.memory_space<hbm>>
      tpu.wait_dma2 semaphore(%arg9 : memref<!tpu.dma_semaphore, #tpu.memory_space<semaphore_mem>>) src(%arg5 : memref<32x1024xf32, #tpu.memory_space<vmem>>) dst(%dma_wait3A_313 : memref<32x1024xf32, #tpu.memory_space<hbm>>)
      %dma_wait3A_314 = arith.constant 2 : i32
      %dma_wait3A_315 = arith.constant 0 : i32
      %dma_wait3A_316 = tpu.memref_slice %arg3[%dma_wait3A_314, %add3A_296, %dma_wait3A_315] : memref<4x8192x1024xf32, #tpu.memory_space<hbm>> -> memref<1x32x1024xf32, #tpu.memory_space<hbm>>
      %dma_wait3A_317 = tpu.memref_squeeze %dma_wait3A_316 : memref<1x32x1024xf32, #tpu.memory_space<hbm>> -> memref<32x1024xf32, #tpu.memory_space<hbm>>
      %dma_wait3A_318 = arith.constant 0 : i32
      %dma_wait3A_319 = tpu.memref_slice %arg3[%dma_wait3A_314, %add3A_296, %dma_wait3A_318] : memref<4x8192x1024xf32, #tpu.memory_space<hbm>> -> memref<1x32x1024xf32, #tpu.memory_space<hbm>>
      %dma_wait3A_320 = tpu.memref_squeeze %dma_wait3A_319 : memref<1x32x1024xf32, #tpu.memory_space<hbm>> -> memref<32x1024xf32, #tpu.memory_space<hbm>>
      tpu.wait_dma2 semaphore(%arg9 : memref<!tpu.dma_semaphore, #tpu.memory_space<semaphore_mem>>) src(%arg5 : memref<32x1024xf32, #tpu.memory_space<vmem>>) dst(%dma_wait3A_320 : memref<32x1024xf32, #tpu.memory_space<hbm>>)
      %dma_wait3A_321 = arith.constant 3 : i32
      %dma_wait3A_322 = arith.constant 0 : i32
      %dma_wait3A_323 = tpu.memref_slice %arg3[%dma_wait3A_321, %add3A_299, %dma_wait3A_322] : memref<4x8192x1024xf32, #tpu.memory_space<hbm>> -> memref<1x32x1024xf32, #tpu.memory_space<hbm>>
      %dma_wait3A_324 = tpu.memref_squeeze %dma_wait3A_323 : memref<1x32x1024xf32, #tpu.memory_space<hbm>> -> memref<32x1024xf32, #tpu.memory_space<hbm>>
      %dma_wait3A_325 = arith.constant 0 : i32
      %dma_wait3A_326 = tpu.memref_slice %arg3[%dma_wait3A_321, %add3A_299, %dma_wait3A_325] : memref<4x8192x1024xf32, #tpu.memory_space<hbm>> -> memref<1x32x1024xf32, #tpu.memory_space<hbm>>
      %dma_wait3A_327 = tpu.memref_squeeze %dma_wait3A_326 : memref<1x32x1024xf32, #tpu.memory_space<hbm>> -> memref<32x1024xf32, #tpu.memory_space<hbm>>
      tpu.wait_dma2 semaphore(%arg9 : memref<!tpu.dma_semaphore, #tpu.memory_space<semaphore_mem>>) src(%arg5 : memref<32x1024xf32, #tpu.memory_space<vmem>>) dst(%dma_wait3A_327 : memref<32x1024xf32, #tpu.memory_space<hbm>>)
      %add3A_328 = arith.constant 1 : i32
      %add3A_329 = arith.addi %add3A_278, %add3A_328 : i32
      %mul3A_330 = arith.constant 32 : i32
      %mul3A_331 = arith.muli %add3A_329, %mul3A_330 : i32
      %add3A_332 = arith.addi %mul3A_2, %mul3A_331 : i32
      %dma_start3A_333 = arith.constant 0 : i32
      %dma_start3A_334 = tpu.memref_slice %arg2[%add3A_332, %dma_start3A_333] : memref<8192x1024xf32, #tpu.memory_space<hbm>> -> memref<32x1024xf32, #tpu.memory_space<hbm>>
      %dma_start3A_335 = arith.constant 0 : i32
      %dma_start3A_336 = tpu.memref_slice %arg2[%add3A_332, %dma_start3A_335] : memref<8192x1024xf32, #tpu.memory_space<hbm>> -> memref<32x1024xf32, #tpu.memory_space<hbm>>
      tpu.enqueue_dma source(%dma_start3A_336 : memref<32x1024xf32, #tpu.memory_space<hbm>>) target(%arg5 : memref<32x1024xf32, #tpu.memory_space<vmem>>) target_semaphore(%arg7 : memref<!tpu.dma_semaphore, #tpu.memory_space<semaphore_mem>>)
      %mul3A_337 = arith.constant 32 : i32
      %mul3A_338 = arith.muli %add3A_278, %mul3A_337 : i32
      %add3A_339 = arith.addi %mul3A_2, %mul3A_338 : i32
      %mul3A_340 = arith.constant 32 : i32
      %mul3A_341 = arith.muli %add3A_278, %mul3A_340 : i32
      %add3A_342 = arith.addi %mul3A_2, %mul3A_341 : i32
      %mul3A_343 = arith.constant 32 : i32
      %mul3A_344 = arith.muli %add3A_278, %mul3A_343 : i32
      %add3A_345 = arith.addi %mul3A_2, %mul3A_344 : i32
      %mul3A_346 = arith.constant 32 : i32
      %mul3A_347 = arith.muli %add3A_278, %mul3A_346 : i32
      %add3A_348 = arith.addi %mul3A_2, %mul3A_347 : i32
      %dma_start3A_349 = arith.constant 0 : i32
      %dma_start3A_350 = arith.constant 0 : i32
      %dma_start3A_351 = tpu.memref_slice %arg3[%dma_start3A_349, %add3A_339, %dma_start3A_350] : memref<4x8192x1024xf32, #tpu.memory_space<hbm>> -> memref<1x32x1024xf32, #tpu.memory_space<hbm>>
      %dma_start3A_352 = tpu.memref_squeeze %dma_start3A_351 : memref<1x32x1024xf32, #tpu.memory_space<hbm>> -> memref<32x1024xf32, #tpu.memory_space<hbm>>
      %dma_start3A_353 = arith.constant 0 : i32
      %dma_start3A_354 = tpu.memref_slice %arg3[%dma_start3A_349, %add3A_339, %dma_start3A_353] : memref<4x8192x1024xf32, #tpu.memory_space<hbm>> -> memref<1x32x1024xf32, #tpu.memory_space<hbm>>
      %dma_start3A_355 = tpu.memref_squeeze %dma_start3A_354 : memref<1x32x1024xf32, #tpu.memory_space<hbm>> -> memref<32x1024xf32, #tpu.memory_space<hbm>>
      tpu.enqueue_dma source(%arg4 : memref<32x1024xf32, #tpu.memory_space<vmem>>) target(%dma_start3A_355 : memref<32x1024xf32, #tpu.memory_space<hbm>>) target_semaphore(%arg8 : memref<!tpu.dma_semaphore, #tpu.memory_space<semaphore_mem>>)
      %dma_start3A_356 = arith.constant 1 : i32
      %dma_start3A_357 = arith.constant 0 : i32
      %dma_start3A_358 = tpu.memref_slice %arg3[%dma_start3A_356, %add3A_342, %dma_start3A_357] : memref<4x8192x1024xf32, #tpu.memory_space<hbm>> -> memref<1x32x1024xf32, #tpu.memory_space<hbm>>
      %dma_start3A_359 = tpu.memref_squeeze %dma_start3A_358 : memref<1x32x1024xf32, #tpu.memory_space<hbm>> -> memref<32x1024xf32, #tpu.memory_space<hbm>>
      %dma_start3A_360 = arith.constant 0 : i32
      %dma_start3A_361 = tpu.memref_slice %arg3[%dma_start3A_356, %add3A_342, %dma_start3A_360] : memref<4x8192x1024xf32, #tpu.memory_space<hbm>> -> memref<1x32x1024xf32, #tpu.memory_space<hbm>>
      %dma_start3A_362 = tpu.memref_squeeze %dma_start3A_361 : memref<1x32x1024xf32, #tpu.memory_space<hbm>> -> memref<32x1024xf32, #tpu.memory_space<hbm>>
      tpu.enqueue_dma source(%arg4 : memref<32x1024xf32, #tpu.memory_space<vmem>>) target(%dma_start3A_362 : memref<32x1024xf32, #tpu.memory_space<hbm>>) target_semaphore(%arg8 : memref<!tpu.dma_semaphore, #tpu.memory_space<semaphore_mem>>)
      %dma_start3A_363 = arith.constant 2 : i32
      %dma_start3A_364 = arith.constant 0 : i32
      %dma_start3A_365 = tpu.memref_slice %arg3[%dma_start3A_363, %add3A_345, %dma_start3A_364] : memref<4x8192x1024xf32, #tpu.memory_space<hbm>> -> memref<1x32x1024xf32, #tpu.memory_space<hbm>>
      %dma_start3A_366 = tpu.memref_squeeze %dma_start3A_365 : memref<1x32x1024xf32, #tpu.memory_space<hbm>> -> memref<32x1024xf32, #tpu.memory_space<hbm>>
      %dma_start3A_367 = arith.constant 0 : i32
      %dma_start3A_368 = tpu.memref_slice %arg3[%dma_start3A_363, %add3A_345, %dma_start3A_367] : memref<4x8192x1024xf32, #tpu.memory_space<hbm>> -> memref<1x32x1024xf32, #tpu.memory_space<hbm>>
      %dma_start3A_369 = tpu.memref_squeeze %dma_start3A_368 : memref<1x32x1024xf32, #tpu.memory_space<hbm>> -> memref<32x1024xf32, #tpu.memory_space<hbm>>
      tpu.enqueue_dma source(%arg4 : memref<32x1024xf32, #tpu.memory_space<vmem>>) target(%dma_start3A_369 : memref<32x1024xf32, #tpu.memory_space<hbm>>) target_semaphore(%arg8 : memref<!tpu.dma_semaphore, #tpu.memory_space<semaphore_mem>>)
      %dma_start3A_370 = arith.constant 3 : i32
      %dma_start3A_371 = arith.constant 0 : i32
      %dma_start3A_372 = tpu.memref_slice %arg3[%dma_start3A_370, %add3A_348, %dma_start3A_371] : memref<4x8192x1024xf32, #tpu.memory_space<hbm>> -> memref<1x32x1024xf32, #tpu.memory_space<hbm>>
      %dma_start3A_373 = tpu.memref_squeeze %dma_start3A_372 : memref<1x32x1024xf32, #tpu.memory_space<hbm>> -> memref<32x1024xf32, #tpu.memory_space<hbm>>
      %dma_start3A_374 = arith.constant 0 : i32
      %dma_start3A_375 = tpu.memref_slice %arg3[%dma_start3A_370, %add3A_348, %dma_start3A_374] : memref<4x8192x1024xf32, #tpu.memory_space<hbm>> -> memref<1x32x1024xf32, #tpu.memory_space<hbm>>
      %dma_start3A_376 = tpu.memref_squeeze %dma_start3A_375 : memref<1x32x1024xf32, #tpu.memory_space<hbm>> -> memref<32x1024xf32, #tpu.memory_space<hbm>>
      tpu.enqueue_dma source(%arg4 : memref<32x1024xf32, #tpu.memory_space<vmem>>) target(%dma_start3A_376 : memref<32x1024xf32, #tpu.memory_space<hbm>>) target_semaphore(%arg8 : memref<!tpu.dma_semaphore, #tpu.memory_space<semaphore_mem>>)
    }
    %scan3A_58 = arith.constant 3 : i32
    %add3A_59 = arith.constant 224 : i32
    %add3A_60 = arith.addi %mul3A_2, %add3A_59 : i32
    %dma_wait3A_61 = arith.constant 0 : i32
    %dma_wait3A_62 = tpu.memref_slice %arg2[%add3A_60, %dma_wait3A_61] : memref<8192x1024xf32, #tpu.memory_space<hbm>> -> memref<32x1024xf32, #tpu.memory_space<hbm>>
    %dma_wait3A_63 = arith.constant 0 : i32
    %dma_wait3A_64 = tpu.memref_slice %arg2[%add3A_60, %dma_wait3A_63] : memref<8192x1024xf32, #tpu.memory_space<hbm>> -> memref<32x1024xf32, #tpu.memory_space<hbm>>
    tpu.wait_dma2 semaphore(%arg7 : memref<!tpu.dma_semaphore, #tpu.memory_space<semaphore_mem>>) src(%dma_wait3A_64 : memref<32x1024xf32, #tpu.memory_space<hbm>>) dst(%arg5 : memref<32x1024xf32, #tpu.memory_space<vmem>>)
    %add3A_65 = arith.constant 192 : i32
    %add3A_66 = arith.addi %mul3A_2, %add3A_65 : i32
    %add3A_67 = arith.constant 192 : i32
    %add3A_68 = arith.addi %mul3A_2, %add3A_67 : i32
    %add3A_69 = arith.constant 192 : i32
    %add3A_70 = arith.addi %mul3A_2, %add3A_69 : i32
    %add3A_71 = arith.constant 192 : i32
    %add3A_72 = arith.addi %mul3A_2, %add3A_71 : i32
    %dma_wait3A_73 = arith.constant 0 : i32
    %dma_wait3A_74 = arith.constant 0 : i32
    %dma_wait3A_75 = tpu.memref_slice %arg3[%dma_wait3A_73, %add3A_66, %dma_wait3A_74] : memref<4x8192x1024xf32, #tpu.memory_space<hbm>> -> memref<1x32x1024xf32, #tpu.memory_space<hbm>>
    %dma_wait3A_76 = tpu.memref_squeeze %dma_wait3A_75 : memref<1x32x1024xf32, #tpu.memory_space<hbm>> -> memref<32x1024xf32, #tpu.memory_space<hbm>>
    %dma_wait3A_77 = arith.constant 0 : i32
    %dma_wait3A_78 = tpu.memref_slice %arg3[%dma_wait3A_73, %add3A_66, %dma_wait3A_77] : memref<4x8192x1024xf32, #tpu.memory_space<hbm>> -> memref<1x32x1024xf32, #tpu.memory_space<hbm>>
    %dma_wait3A_79 = tpu.memref_squeeze %dma_wait3A_78 : memref<1x32x1024xf32, #tpu.memory_space<hbm>> -> memref<32x1024xf32, #tpu.memory_space<hbm>>
    tpu.wait_dma2 semaphore(%arg8 : memref<!tpu.dma_semaphore, #tpu.memory_space<semaphore_mem>>) src(%arg4 : memref<32x1024xf32, #tpu.memory_space<vmem>>) dst(%dma_wait3A_79 : memref<32x1024xf32, #tpu.memory_space<hbm>>)
    %dma_wait3A_80 = arith.constant 1 : i32
    %dma_wait3A_81 = arith.constant 0 : i32
    %dma_wait3A_82 = tpu.memref_slice %arg3[%dma_wait3A_80, %add3A_68, %dma_wait3A_81] : memref<4x8192x1024xf32, #tpu.memory_space<hbm>> -> memref<1x32x1024xf32, #tpu.memory_space<hbm>>
    %dma_wait3A_83 = tpu.memref_squeeze %dma_wait3A_82 : memref<1x32x1024xf32, #tpu.memory_space<hbm>> -> memref<32x1024xf32, #tpu.memory_space<hbm>>
    %dma_wait3A_84 = arith.constant 0 : i32
    %dma_wait3A_85 = tpu.memref_slice %arg3[%dma_wait3A_80, %add3A_68, %dma_wait3A_84] : memref<4x8192x1024xf32, #tpu.memory_space<hbm>> -> memref<1x32x1024xf32, #tpu.memory_space<hbm>>
    %dma_wait3A_86 = tpu.memref_squeeze %dma_wait3A_85 : memref<1x32x1024xf32, #tpu.memory_space<hbm>> -> memref<32x1024xf32, #tpu.memory_space<hbm>>
    tpu.wait_dma2 semaphore(%arg8 : memref<!tpu.dma_semaphore, #tpu.memory_space<semaphore_mem>>) src(%arg4 : memref<32x1024xf32, #tpu.memory_space<vmem>>) dst(%dma_wait3A_86 : memref<32x1024xf32, #tpu.memory_space<hbm>>)
    %dma_wait3A_87 = arith.constant 2 : i32
    %dma_wait3A_88 = arith.constant 0 : i32
    %dma_wait3A_89 = tpu.memref_slice %arg3[%dma_wait3A_87, %add3A_70, %dma_wait3A_88] : memref<4x8192x1024xf32, #tpu.memory_space<hbm>> -> memref<1x32x1024xf32, #tpu.memory_space<hbm>>
    %dma_wait3A_90 = tpu.memref_squeeze %dma_wait3A_89 : memref<1x32x1024xf32, #tpu.memory_space<hbm>> -> memref<32x1024xf32, #tpu.memory_space<hbm>>
    %dma_wait3A_91 = arith.constant 0 : i32
    %dma_wait3A_92 = tpu.memref_slice %arg3[%dma_wait3A_87, %add3A_70, %dma_wait3A_91] : memref<4x8192x1024xf32, #tpu.memory_space<hbm>> -> memref<1x32x1024xf32, #tpu.memory_space<hbm>>
    %dma_wait3A_93 = tpu.memref_squeeze %dma_wait3A_92 : memref<1x32x1024xf32, #tpu.memory_space<hbm>> -> memref<32x1024xf32, #tpu.memory_space<hbm>>
    tpu.wait_dma2 semaphore(%arg8 : memref<!tpu.dma_semaphore, #tpu.memory_space<semaphore_mem>>) src(%arg4 : memref<32x1024xf32, #tpu.memory_space<vmem>>) dst(%dma_wait3A_93 : memref<32x1024xf32, #tpu.memory_space<hbm>>)
    %dma_wait3A_94 = arith.constant 3 : i32
    %dma_wait3A_95 = arith.constant 0 : i32
    %dma_wait3A_96 = tpu.memref_slice %arg3[%dma_wait3A_94, %add3A_72, %dma_wait3A_95] : memref<4x8192x1024xf32, #tpu.memory_space<hbm>> -> memref<1x32x1024xf32, #tpu.memory_space<hbm>>
    %dma_wait3A_97 = tpu.memref_squeeze %dma_wait3A_96 : memref<1x32x1024xf32, #tpu.memory_space<hbm>> -> memref<32x1024xf32, #tpu.memory_space<hbm>>
    %dma_wait3A_98 = arith.constant 0 : i32
    %dma_wait3A_99 = tpu.memref_slice %arg3[%dma_wait3A_94, %add3A_72, %dma_wait3A_98] : memref<4x8192x1024xf32, #tpu.memory_space<hbm>> -> memref<1x32x1024xf32, #tpu.memory_space<hbm>>
    %dma_wait3A_100 = tpu.memref_squeeze %dma_wait3A_99 : memref<1x32x1024xf32, #tpu.memory_space<hbm>> -> memref<32x1024xf32, #tpu.memory_space<hbm>>
    tpu.wait_dma2 semaphore(%arg8 : memref<!tpu.dma_semaphore, #tpu.memory_space<semaphore_mem>>) src(%arg4 : memref<32x1024xf32, #tpu.memory_space<vmem>>) dst(%dma_wait3A_100 : memref<32x1024xf32, #tpu.memory_space<hbm>>)
    %add3A_101 = arith.constant 224 : i32
    %add3A_102 = arith.addi %mul3A_2, %add3A_101 : i32
    %add3A_103 = arith.constant 224 : i32
    %add3A_104 = arith.addi %mul3A_2, %add3A_103 : i32
    %add3A_105 = arith.constant 224 : i32
    %add3A_106 = arith.addi %mul3A_2, %add3A_105 : i32
    %add3A_107 = arith.constant 224 : i32
    %add3A_108 = arith.addi %mul3A_2, %add3A_107 : i32
    %dma_start3A_109 = arith.constant 0 : i32
    %dma_start3A_110 = arith.constant 0 : i32
    %dma_start3A_111 = tpu.memref_slice %arg3[%dma_start3A_109, %add3A_102, %dma_start3A_110] : memref<4x8192x1024xf32, #tpu.memory_space<hbm>> -> memref<1x32x1024xf32, #tpu.memory_space<hbm>>
    %dma_start3A_112 = tpu.memref_squeeze %dma_start3A_111 : memref<1x32x1024xf32, #tpu.memory_space<hbm>> -> memref<32x1024xf32, #tpu.memory_space<hbm>>
    %dma_start3A_113 = arith.constant 0 : i32
    %dma_start3A_114 = tpu.memref_slice %arg3[%dma_start3A_109, %add3A_102, %dma_start3A_113] : memref<4x8192x1024xf32, #tpu.memory_space<hbm>> -> memref<1x32x1024xf32, #tpu.memory_space<hbm>>
    %dma_start3A_115 = tpu.memref_squeeze %dma_start3A_114 : memref<1x32x1024xf32, #tpu.memory_space<hbm>> -> memref<32x1024xf32, #tpu.memory_space<hbm>>
    tpu.enqueue_dma source(%arg5 : memref<32x1024xf32, #tpu.memory_space<vmem>>) target(%dma_start3A_115 : memref<32x1024xf32, #tpu.memory_space<hbm>>) target_semaphore(%arg9 : memref<!tpu.dma_semaphore, #tpu.memory_space<semaphore_mem>>)
    %dma_start3A_116 = arith.constant 1 : i32
    %dma_start3A_117 = arith.constant 0 : i32
    %dma_start3A_118 = tpu.memref_slice %arg3[%dma_start3A_116, %add3A_104, %dma_start3A_117] : memref<4x8192x1024xf32, #tpu.memory_space<hbm>> -> memref<1x32x1024xf32, #tpu.memory_space<hbm>>
    %dma_start3A_119 = tpu.memref_squeeze %dma_start3A_118 : memref<1x32x1024xf32, #tpu.memory_space<hbm>> -> memref<32x1024xf32, #tpu.memory_space<hbm>>
    %dma_start3A_120 = arith.constant 0 : i32
    %dma_start3A_121 = tpu.memref_slice %arg3[%dma_start3A_116, %add3A_104, %dma_start3A_120] : memref<4x8192x1024xf32, #tpu.memory_space<hbm>> -> memref<1x32x1024xf32, #tpu.memory_space<hbm>>
    %dma_start3A_122 = tpu.memref_squeeze %dma_start3A_121 : memref<1x32x1024xf32, #tpu.memory_space<hbm>> -> memref<32x1024xf32, #tpu.memory_space<hbm>>
    tpu.enqueue_dma source(%arg5 : memref<32x1024xf32, #tpu.memory_space<vmem>>) target(%dma_start3A_122 : memref<32x1024xf32, #tpu.memory_space<hbm>>) target_semaphore(%arg9 : memref<!tpu.dma_semaphore, #tpu.memory_space<semaphore_mem>>)
    %dma_start3A_123 = arith.constant 2 : i32
    %dma_start3A_124 = arith.constant 0 : i32
    %dma_start3A_125 = tpu.memref_slice %arg3[%dma_start3A_123, %add3A_106, %dma_start3A_124] : memref<4x8192x1024xf32, #tpu.memory_space<hbm>> -> memref<1x32x1024xf32, #tpu.memory_space<hbm>>
    %dma_start3A_126 = tpu.memref_squeeze %dma_start3A_125 : memref<1x32x1024xf32, #tpu.memory_space<hbm>> -> memref<32x1024xf32, #tpu.memory_space<hbm>>
    %dma_start3A_127 = arith.constant 0 : i32
    %dma_start3A_128 = tpu.memref_slice %arg3[%dma_start3A_123, %add3A_106, %dma_start3A_127] : memref<4x8192x1024xf32, #tpu.memory_space<hbm>> -> memref<1x32x1024xf32, #tpu.memory_space<hbm>>
    %dma_start3A_129 = tpu.memref_squeeze %dma_start3A_128 : memref<1x32x1024xf32, #tpu.memory_space<hbm>> -> memref<32x1024xf32, #tpu.memory_space<hbm>>
    tpu.enqueue_dma source(%arg5 : memref<32x1024xf32, #tpu.memory_space<vmem>>) target(%dma_start3A_129 : memref<32x1024xf32, #tpu.memory_space<hbm>>) target_semaphore(%arg9 : memref<!tpu.dma_semaphore, #tpu.memory_space<semaphore_mem>>)
    %dma_start3A_130 = arith.constant 3 : i32
    %dma_start3A_131 = arith.constant 0 : i32
    %dma_start3A_132 = tpu.memref_slice %arg3[%dma_start3A_130, %add3A_108, %dma_start3A_131] : memref<4x8192x1024xf32, #tpu.memory_space<hbm>> -> memref<1x32x1024xf32, #tpu.memory_space<hbm>>
    %dma_start3A_133 = tpu.memref_squeeze %dma_start3A_132 : memref<1x32x1024xf32, #tpu.memory_space<hbm>> -> memref<32x1024xf32, #tpu.memory_space<hbm>>
    %dma_start3A_134 = arith.constant 0 : i32
    %dma_start3A_135 = tpu.memref_slice %arg3[%dma_start3A_130, %add3A_108, %dma_start3A_134] : memref<4x8192x1024xf32, #tpu.memory_space<hbm>> -> memref<1x32x1024xf32, #tpu.memory_space<hbm>>
    %dma_start3A_136 = tpu.memref_squeeze %dma_start3A_135 : memref<1x32x1024xf32, #tpu.memory_space<hbm>> -> memref<32x1024xf32, #tpu.memory_space<hbm>>
    tpu.enqueue_dma source(%arg5 : memref<32x1024xf32, #tpu.memory_space<vmem>>) target(%dma_start3A_136 : memref<32x1024xf32, #tpu.memory_space<hbm>>) target_semaphore(%arg9 : memref<!tpu.dma_semaphore, #tpu.memory_space<semaphore_mem>>)
    %add3A_137 = arith.constant 224 : i32
    %add3A_138 = arith.addi %mul3A_2, %add3A_137 : i32
    %add3A_139 = arith.constant 224 : i32
    %add3A_140 = arith.addi %mul3A_2, %add3A_139 : i32
    %add3A_141 = arith.constant 224 : i32
    %add3A_142 = arith.addi %mul3A_2, %add3A_141 : i32
    %add3A_143 = arith.constant 224 : i32
    %add3A_144 = arith.addi %mul3A_2, %add3A_143 : i32
    %dma_wait3A_145 = arith.constant 0 : i32
    %dma_wait3A_146 = arith.constant 0 : i32
    %dma_wait3A_147 = tpu.memref_slice %arg3[%dma_wait3A_145, %add3A_138, %dma_wait3A_146] : memref<4x8192x1024xf32, #tpu.memory_space<hbm>> -> memref<1x32x1024xf32, #tpu.memory_space<hbm>>
    %dma_wait3A_148 = tpu.memref_squeeze %dma_wait3A_147 : memref<1x32x1024xf32, #tpu.memory_space<hbm>> -> memref<32x1024xf32, #tpu.memory_space<hbm>>
    %dma_wait3A_149 = arith.constant 0 : i32
    %dma_wait3A_150 = tpu.memref_slice %arg3[%dma_wait3A_145, %add3A_138, %dma_wait3A_149] : memref<4x8192x1024xf32, #tpu.memory_space<hbm>> -> memref<1x32x1024xf32, #tpu.memory_space<hbm>>
    %dma_wait3A_151 = tpu.memref_squeeze %dma_wait3A_150 : memref<1x32x1024xf32, #tpu.memory_space<hbm>> -> memref<32x1024xf32, #tpu.memory_space<hbm>>
    tpu.wait_dma2 semaphore(%arg9 : memref<!tpu.dma_semaphore, #tpu.memory_space<semaphore_mem>>) src(%arg5 : memref<32x1024xf32, #tpu.memory_space<vmem>>) dst(%dma_wait3A_151 : memref<32x1024xf32, #tpu.memory_space<hbm>>)
    %dma_wait3A_152 = arith.constant 1 : i32
    %dma_wait3A_153 = arith.constant 0 : i32
    %dma_wait3A_154 = tpu.memref_slice %arg3[%dma_wait3A_152, %add3A_140, %dma_wait3A_153] : memref<4x8192x1024xf32, #tpu.memory_space<hbm>> -> memref<1x32x1024xf32, #tpu.memory_space<hbm>>
    %dma_wait3A_155 = tpu.memref_squeeze %dma_wait3A_154 : memref<1x32x1024xf32, #tpu.memory_space<hbm>> -> memref<32x1024xf32, #tpu.memory_space<hbm>>
    %dma_wait3A_156 = arith.constant 0 : i32
    %dma_wait3A_157 = tpu.memref_slice %arg3[%dma_wait3A_152, %add3A_140, %dma_wait3A_156] : memref<4x8192x1024xf32, #tpu.memory_space<hbm>> -> memref<1x32x1024xf32, #tpu.memory_space<hbm>>
    %dma_wait3A_158 = tpu.memref_squeeze %dma_wait3A_157 : memref<1x32x1024xf32, #tpu.memory_space<hbm>> -> memref<32x1024xf32, #tpu.memory_space<hbm>>
    tpu.wait_dma2 semaphore(%arg9 : memref<!tpu.dma_semaphore, #tpu.memory_space<semaphore_mem>>) src(%arg5 : memref<32x1024xf32, #tpu.memory_space<vmem>>) dst(%dma_wait3A_158 : memref<32x1024xf32, #tpu.memory_space<hbm>>)
    %dma_wait3A_159 = arith.constant 2 : i32
    %dma_wait3A_160 = arith.constant 0 : i32
    %dma_wait3A_161 = tpu.memref_slice %arg3[%dma_wait3A_159, %add3A_142, %dma_wait3A_160] : memref<4x8192x1024xf32, #tpu.memory_space<hbm>> -> memref<1x32x1024xf32, #tpu.memory_space<hbm>>
    %dma_wait3A_162 = tpu.memref_squeeze %dma_wait3A_161 : memref<1x32x1024xf32, #tpu.memory_space<hbm>> -> memref<32x1024xf32, #tpu.memory_space<hbm>>
    %dma_wait3A_163 = arith.constant 0 : i32
    %dma_wait3A_164 = tpu.memref_slice %arg3[%dma_wait3A_159, %add3A_142, %dma_wait3A_163] : memref<4x8192x1024xf32, #tpu.memory_space<hbm>> -> memref<1x32x1024xf32, #tpu.memory_space<hbm>>
    %dma_wait3A_165 = tpu.memref_squeeze %dma_wait3A_164 : memref<1x32x1024xf32, #tpu.memory_space<hbm>> -> memref<32x1024xf32, #tpu.memory_space<hbm>>
    tpu.wait_dma2 semaphore(%arg9 : memref<!tpu.dma_semaphore, #tpu.memory_space<semaphore_mem>>) src(%arg5 : memref<32x1024xf32, #tpu.memory_space<vmem>>) dst(%dma_wait3A_165 : memref<32x1024xf32, #tpu.memory_space<hbm>>)
    %dma_wait3A_166 = arith.constant 3 : i32
    %dma_wait3A_167 = arith.constant 0 : i32
    %dma_wait3A_168 = tpu.memref_slice %arg3[%dma_wait3A_166, %add3A_144, %dma_wait3A_167] : memref<4x8192x1024xf32, #tpu.memory_space<hbm>> -> memref<1x32x1024xf32, #tpu.memory_space<hbm>>
    %dma_wait3A_169 = tpu.memref_squeeze %dma_wait3A_168 : memref<1x32x1024xf32, #tpu.memory_space<hbm>> -> memref<32x1024xf32, #tpu.memory_space<hbm>>
    %dma_wait3A_170 = arith.constant 0 : i32
    %dma_wait3A_171 = tpu.memref_slice %arg3[%dma_wait3A_166, %add3A_144, %dma_wait3A_170] : memref<4x8192x1024xf32, #tpu.memory_space<hbm>> -> memref<1x32x1024xf32, #tpu.memory_space<hbm>>
    %dma_wait3A_172 = tpu.memref_squeeze %dma_wait3A_171 : memref<1x32x1024xf32, #tpu.memory_space<hbm>> -> memref<32x1024xf32, #tpu.memory_space<hbm>>
    tpu.wait_dma2 semaphore(%arg9 : memref<!tpu.dma_semaphore, #tpu.memory_space<semaphore_mem>>) src(%arg5 : memref<32x1024xf32, #tpu.memory_space<vmem>>) dst(%dma_wait3A_172 : memref<32x1024xf32, #tpu.memory_space<hbm>>)
    return
  }
}

</mosaic_0001>

<sc_bundles>
// kernel: kernel.3.cloned.1.call-start
scs
__scs_entry_jumppad:
0x0: {  	(pc) =	sbr.rel $0x88, $3  }
0x1: {  	(tag) =	ssettag $0x0;
	lr =	simm.s32 $0x1  }
0x2: {  	[smem:$0x3FA0] =	sst lr;
	_ =	strace $0xD0000000  }
0x3: {  	_ = 	snop  }
0x4: {  	_ = 	snop  }
0x5: {  	_ = 	snop  }
0x6: {  	_ = 	snop  }
0x7: {  	_ = 	snop  }
__scs_overlays_trampoline_lowered:
0x8: {  	[smem:$0x3FAF] =	sst s0  }
0x9: {  	[smem:$0x3FB0] =	sst s1  }
0xa: {  	[smem:$0x3FB1] =	sst s2  }
0xb: {  	[smem:$0x3FB2] =	sst s3  }
0xc: {  	[smem:$0x3FB3] =	sst s4  }
0xd: {  	[smem:$0x3FB4] =	sst s5  }
0xe: {  	[smem:$0x3FB5] =	sst s6  }
0xf: {  	[smem:$0x3FB6] =	sst s7  }
0x10: {  	[smem:$0x3FB7] =	sst s8  }
0x11: {  	[smem:$0x3FB8] =	sst s9;
	s0 =	simm.s32 @!p0 $0x0  }
0x12: {  	s1 =	sld [smem:$0x3F9E];
	s0 =	simm.s32 @p0 $0x1  }
0x13: {  	[smem:$0x3FB9] =	sst s0;
	s0 =	simm.s32 @!p1 $0x0  }
0x14: {  	s2 =	sld [smem:$0x3F9D];
	s0 =	simm.s32 @p1 $0x1  }
0x15: {  	[smem:$0x3FBA] =	sst s0;
	s0 =	simm.s32 @!p2 $0x0  }
0x16: {  	s3 =	sld [smem:$0x3FDB];
	s0 =	simm.s32 @p2 $0x1  }
0x17: {  	s4 =	simm.s32 $0x1BF5;
	[smem:$0x3FBC] =	sst s0  }
0x18: {  	s0 =	sld [smem:$0x3F9F];
	_ =	swait.ge [sflag:s4], $0x0  }
0x19: {  	s7 =	sld [smem:$0x3FA0]  }
0x1a: {  	s8 =	sadd.s32 $0xFFFFE003, lr  }
0x1b: {  	s9 =	sadd.s32 $0xFFFFFEF7, lr;
	s5 =	simm.s32 $0xFFFFFFFF;
	p2 =	slt.u32 s8, $0xFFFFF086  }
0x1c: {  	p1 =	slt.u32 s9, $0xF7A;
	s5 =	simm.s32 @!p2 $0x0  }
0x1d: {  	s5 =	simm.s32 @p1 $0x1;
	p0 =	seq.s32 s7, s2  }
0x1e: {  	s7 =	smul.u32 @!p0 $0xF7A, s2;
	p2 =	seq.s32 @!p0 s5, $0x0  }
0x1f: {  	s9 =	smul.u32 $0xF7A, s1;
	s8 =	simm.s32 @!p0 $0x1BF5;
	p2 =	por !p2, p0  }
0x20: {  	[sflag:s8] =	ssyncset.s32 @!p0 $0xFFFFF086;
	s6 =	sadd.s32 @!p0 s3, s7;
	s7 =	simm.s32 @!p0 $0x108  }
0x21: {  	s3 =	sadd.s32 s3, s9;
	s6 =	sadd.s32 @!p0 $0x88, s6;
	s7 =	simm.s32 @p2 $0x1082  }
0x22: {  	[simem:s7], [sflag:s8] =	dma.local @!p0 [hbm:s6], $0xF7A  }
0x23: {  	s9 =	sor.u32 $0xD0000000, s2;
	s6 =	simm.s32 $0x108;
	_ =	swait.ge @!p0 [sflag:s8], $0x0  }
0x24: {  	s3 =	sadd.s32 $0x88, s3;
	s6 =	simm.s32 @!p1 $0x1082;
	[sflag:s4] =	ssyncset.s32 $0xFFFFF086  }
0x25: {  	[simem:s6], [sflag:s4] =	dma.local [hbm:s3], $0xF7A  }
0x26: {  	[smem:$0x3FA0] =	sst s1;
	(tag) =	ssettag s2;
	_ =	strace s9  }
0x27: {  	s1 =	sld [smem:$0x3FB0]  }
0x28: {  	s2 =	sld [smem:$0x3FB1]  }
0x29: {  	s4 =	sld [smem:$0x3FB3]  }
0x2a: {  	p0 =	seq.s32 s5, $0x0;
	s5 =	sld [smem:$0x3FB4]  }
0x2b: {  	s6 =	sld [smem:$0x3FB5]  }
0x2c: {  	s7 =	sld [smem:$0x3FB6]  }
0x2d: {  	s3 =	simm.s32 $0x108;
	s8 =	sld [smem:$0x3FB7]  }
0x2e: {  	s3 =	simm.s32 @!p0 $0x1082;
	s9 =	sld [smem:$0x3FB8]  }
0x2f: {  	lr =	sadd.s32 s0, s3;
	s0 =	sld [smem:$0x3FAF]  }
0x30: {  	s3 =	sld [smem:$0x3FB2]  }
0x31: {  	[smem:$0x3FBB] =	sst s10  }
0x32: {  	s10 =	sld [smem:$0x3FB9];
	_ =	sdelay $0x3  }
0x33: {  	p0 =	seq.s32 s10, $0x1;
	s10 =	sld [smem:$0x3FBB];
	_ =	sdelay $0x3  }
0x34: {  	[smem:$0x3FBB] =	sst s10  }
0x35: {  	s10 =	sld [smem:$0x3FBA];
	_ =	sdelay $0x3  }
0x36: {  	p1 =	seq.s32 s10, $0x1;
	s10 =	sld [smem:$0x3FBB];
	_ =	sdelay $0x3  }
0x37: {  	[smem:$0x3FBB] =	sst s10  }
0x38: {  	s10 =	sld [smem:$0x3FBC]  }
0x39: {  	_ = 	snop;
	(pc) =	sbr.ind lr, $3  }
0x3a: {  	_ = 	snop  }
0x3b: {  	_ = 	snop  }
0x3c: {  	p2 =	seq.s32 s10, $0x1;
	s10 =	sld [smem:$0x3FBB]  }
0x3d: {  	_ =	shalt  }
0x3e: {  	_ =	shalt  }
0x3f: {  	_ =	shalt  }
0x40: {  	_ =	shalt  }
0x41: {  	_ =	shalt  }
0x42: {  	_ =	shalt  }
0x43: {  	_ =	shalt  }
0x44: {  	_ =	shalt  }
0x45: {  	_ =	shalt  }
0x46: {  	_ =	shalt  }
0x47: {  	_ =	shalt  }
0x48: {  	_ =	shalt  }
0x49: {  	_ =	shalt  }
0x4a: {  	_ =	shalt  }
0x4b: {  	_ =	shalt  }
0x4c: {  	_ =	shalt  }
0x4d: {  	_ =	shalt  }
0x4e: {  	_ =	shalt  }
0x4f: {  	_ =	shalt  }
0x50: {  	_ =	shalt  }
0x51: {  	_ =	shalt  }
0x52: {  	_ =	shalt  }
0x53: {  	_ =	shalt  }
0x54: {  	_ =	shalt  }
0x55: {  	_ =	shalt  }
0x56: {  	_ =	shalt  }
0x57: {  	_ =	shalt  }
0x58: {  	_ =	shalt  }
0x59: {  	_ =	shalt  }
0x5a: {  	_ =	shalt  }
0x5b: {  	_ =	shalt  }
0x5c: {  	_ =	shalt  }
0x5d: {  	_ =	shalt  }
0x5e: {  	_ =	shalt  }
0x5f: {  	_ =	shalt  }
0x60: {  	_ =	shalt  }
0x61: {  	_ =	shalt  }
0x62: {  	_ =	shalt  }
0x63: {  	_ =	shalt  }
0x64: {  	_ =	shalt  }
0x65: {  	_ =	shalt  }
0x66: {  	_ =	shalt  }
0x67: {  	_ =	shalt  }
0x68: {  	_ =	shalt  }
0x69: {  	_ =	shalt  }
0x6a: {  	_ =	shalt  }
0x6b: {  	_ =	shalt  }
0x6c: {  	_ =	shalt  }
0x6d: {  	_ =	shalt  }
0x6e: {  	_ =	shalt  }
0x6f: {  	_ =	shalt  }
0x70: {  	_ =	shalt  }
0x71: {  	_ =	shalt  }
0x72: {  	_ =	shalt  }
0x73: {  	_ =	shalt  }
0x74: {  	_ =	shalt  }
0x75: {  	_ =	shalt  }
0x76: {  	_ =	shalt  }
0x77: {  	_ =	shalt  }
0x78: {  	_ =	shalt  }
0x79: {  	_ =	shalt  }
0x7a: {  	_ =	shalt  }
0x7b: {  	_ =	shalt  }
0x7c: {  	_ =	shalt  }
0x7d: {  	_ =	shalt  }
0x7e: {  	_ =	shalt  }
0x7f: {  	_ =	shalt  }
0x80: {  	_ =	shalt  }
0x81: {  	_ =	shalt  }
0x82: {  	_ =	shalt  }
0x83: {  	_ =	shalt  }
0x84: {  	_ =	shalt  }
0x85: {  	_ =	shalt  }
0x86: {  	_ =	shalt  }
0x87: {  	_ =	shalt  }
.Lfunc_end0:
.L_simem_size_0:
called_computation_lowered:
.L_overlay_start_0:
0x88: {  	s2 =	sld [smem:$0x3FD9]  }
0x89: {  	s3 =	sld [smem:$0x3FFE];
	_ =	sdelay $0x1  }
0x8a: {  	s1 =	srdreg.scid  }
0x8b: {  	s0 =	sand.u32 $0x1, s1  }
0x8c: {  	s18 =	sshll.u32 s0, $0xA;
	s2 =	sadd.s32 s3, s2  }
0x8d: {  	s2 =	sadd.s32 s2, s18  }
0x8e: {  	[smem:$0x3FC7] =	sst s2  }
0x8f: {  	_ = 	snop  }
0x90: {  	s2 =	sld [smem:$0x3FC9]  }
0x91: {  	s19 =	sld [smem:$0x3FD0];
	(tm) =	ssettm $0x1  }
0x92: {  	s4 =	sld [smem:$0x3FFB];
	_ =	sdelay $0x3  }
0x93: {  	_ =	strace s4  }
0x94: {  	s4 =	sld [smem:$0x3FFC];
	_ =	sdelay $0x3  }
0x95: {  	_ =	strace s4  }
0x96: {  	s4 =	sld [smem:$0x3FFD];
	_ =	sdelay $0x3  }
0x97: {  	_ =	strace s4  }
0x98: {  	_ =	strace $0x8FFFFFFF  }
0x99: {  	s20 =	sld [smem:$0x3FDB];
	_ =	sdelay $0x1  }
0x9a: {  	s5 =	simm.s32 $_scs_section_size  }
0x9b: {  	s6 =	simm.s32 $_size__tile_overlayer_lowered;
	s7 =	simm.s32 $_tile_overlayer_lowered  }
0x9c: {  	s23 =	simm.s32 $0x1BFF;
	s22 =	sshll.u32 s7, $0x1;
	s4 =	sadd.s32 s5, s20  }
0x9d: {  	s8 =	simm.s32 $0x0;
	s21 =	sshll.u32 s6, $0x1;
	s6 =	sadd.s32 s22, s4  }
0x9e: {  	[timem:s8], [sflag:s23] =	dma.local [hbm:s6], s21  }
0x9f: {  	_ =	swait.ge [sflag:s23], s21  }
0xa0: {  	s5 =	ssub.s32 $0x0, s21;
	[sflag:s23] =	ssyncset.done $0x0  }
0xa1: {  	[sflag:s23] =	ssyncadd.s32 s5;
	_ =	sdelay $0x1  }
0xa2: {  	s24 =	simm.s32 $0x1B8B  }
0xa3: {  	_ =	swait.ge [sflag:s24], $0x1  }
0xa4: {  	[sflag:s24] =	ssyncset.done $0x0  }
0xa5: {  	s25 =	simm.s32 $0x1B8E;
	[sflag:s24] =	ssyncadd.s32 $0xFFFFFFFF  }
0xa6: {  	s26 =	simm.s32 $execute0_lowered;
	[smem:$0x3FD2] =	sst s25  }
0xa7: {  	s5 =	sshll.u32 s26, $0x1;
	_ =	strace $0x80000046;
	[dreg:$0x1] =	wrdreg $0xFFFFFFFF  }
0xa8: {  	s28 =	simm.s32 $_size_execute0_lowered;
	s4 =	sadd.s32 s4, s5;
	[dreg:$0x0] =	wrdreg $0x0  }
0xa9: {  	s5 =	sshll.u32 s28, $0x1;
	[dreg:$0x2] =	wrdreg s4  }
0xaa: {  	[dreg:$0x3] =	wrdreg s5  }
0xab: {  	[dreg:$0x4] =	wrdreg $0xC0  }
0xac: {  	_ =	task [dreg:s8], $0x5FFFF  }
0xad: {  	[dreg:$0x1] =	wrdreg $0xFFFFFFFF  }
0xae: {  	[dreg:$0x0] =	wrdreg $0x60  }
0xaf: {  	[dreg:$0x2] =	wrdreg s2  }
0xb0: {  	[dreg:$0x3] =	wrdreg s19  }
0xb1: {  	[dreg:$0x4] =	wrdreg $0x9  }
0xb2: {  	_ =	task.clear_ibuf [dreg:s8], $0x5FFFF;
	_ =	strace $0x90000046  }
0xb3: {  	s29 =	simm.s32 $0x9;
	_ =	strace $0x80000048  }
0xb4: {  	_ =	swait.ge [sflag:s29], $0x1  }
0xb5: {  	[sflag:s29] =	ssyncadd.s32 $0xFFFFFFFF  }
0xb6: {  	_ =	strace $0x90000048  }
0xb7: {  	_ =	sfence  }
0xb8: {  	s30 =	sld [smem:$0x0];
	_ =	sdelay $0x2  }
0xb9: {  	s31 =	sshll.u32 s1, $0xD;
	s1 =	sshrl.u32 s1, $0x2  }
0xba: {  	s3 =	sand.u32 $0x4000, s31;
	s1 =	sadd.s32 s1, s30  }
0xbb: {  	s0 =	sor.u32 s3, s0;
	s1 =	sshll.u32 s1, $0x11  }
0xbc: {  	s0 =	sor.u32 s1, s0  }
0xbd: {  	s0 =	sadd.s32 $0x8F2B, s0  }
0xbe: {  	[sflag:s0] =	ssyncadd.remote.s32 $0x1  }
0xbf: {  	_ =	sfence.sel $0xFFFF  }
0xc0: {  	[dreg:$0x0] =	wrdreg $0xFFFFFFFF;
	(pc) =	sbr.abs _section_cstart, $3  }
0xc1: {  	[dreg:$0x1] =	wrdreg $0xFFFFFFFF  }
0xc2: {  	_ =	task.clear_ibuf [dreg:s8], $0x2FFFF;
	_ =	strace $0x9FFFFFFF  }
0xc3: {  	(tm) =	ssettm $0x7FFFFFFF  }
tec
execute0_lowered:
.L_overlay_start_1:
0x0: {  	(tag) =	ssettag $0x1  }
0x1: {  	s15 =	rddreg [dreg:$0x0]  }
0x2: {  	s17 =	rddreg [dreg:$0x1];
	s2 =	srdreg.scid  }
0x3: {  	s0 =	rddreg [dreg:$0x2];
	s1 =	stileid.u32;
	s21 =	simm.s32 $0x3  }
0x4: {  	s22 =	simm.s32 $0x4;
	s23 =	simm.s32 $0x0;
	s13 =	sand.u32 $0x1, s2  }
0x5: {  	s2 =	simm.s32 $0x0;
	s16 =	sshll.u32 s1, $0x10;
	s19 =	sshll.u32 s1, $0x13  }
0x6: {  	s18 =	sshll.u32 s13, $0xF;
	[smem:$0x7FF] =	sst s2;
	s4 =	ssub.s32 $0x2, s13  }
0x7: {  	s20 =	sshll.u32 s13, $0x12;
	s30 =	sadd.s32 s16, s17;
	s5 =	sor.u32 s18, s16  }
0x8: {  	_ =	strace $0x80000047;
	s6 =	sshrl.u32 s4, $0x1;
	s19 =	sor.u32 s20, s19  }
0x9: {  	s3 =	sadd.s32 s15, s5;
	s14 =	ssub.s32 s4, s6;
	s5 =	sadd.s32 s17, s5  }
0xa: {  	s20 =	sor.u32 $0x810000, s19;
	s19 =	sor.u32 $0x1810000, s19;
	s15 =	sadd.s32 s16, s15  }
0xb: {  	s4 =	sadd.s32 $0x1000, s3;
	s6 =	sadd.s32 $0x100000, s5;
	s7 =	sadd.s32 $0x200000, s5  }
0xc: {  	s8 =	sadd.s32 $0x300000, s5;
	s9 =	sadd.s32 $0x7000, s5;
	s10 =	sadd.s32 $0x107000, s5  }
0xd: {  	s11 =	sadd.s32 $0x207000, s5;
	s12 =	sadd.s32 $0x307000, s5;
	s13 =	smax.u32 s14, $0x1  }
0xe: {  	s14 =	sadd.s32 s18, s30;
	s31 =	sshrl.u32 s20, $0x3;
	s19 =	sshrl.u32 s19, $0x3  }
0xf: {  	s15 =	sadd.s32 s18, s15;
	s18 =	simm.s32 $0x1;
	s20 =	simm.s32 $0x2  }
0x10: {  	s16 =	sadd.s32 s31, s17;
	s17 =	sadd.s32 s19, s17;
	s19 =	simm.s32 $0x8000  }
.LBB2_1:
0x11: {  	[tilespmem:s2], [sflag:$0x1] =	stream.linear.gather [hbm4b:s3+s2], $0x8000, $0x38;
	[tilespmem:$0x10000] =	vst v63  }
0x12: {  	_ =	swait.ge [sflag:s18], $0x8000  }
0x13: {  	[sflag:s18] =	ssyncset.done $0x0  }
0x14: {  	[sflag:s18] =	ssyncadd.s32 $0xFFFF8000  }
0x15: {  	[tilespmem:s19], [sflag:$0x2] =	stream.linear.gather [hbm4b:s4+s2], $0x8000, $0x38;
	[tilespmem:$0x10000] =	vst v63  }
0x16: {  	_ = 	snop  }
0x17: {  	[hbm4b:s5+s2] =	stream.linear.scatter [tilespmem:s2], [sflag:$0x3], $0x8000, $0x38;
	[tilespmem:$0x10000] =	vst v63  }
0x18: {  	_ = 	snop  }
0x19: {  	[hbm4b:s6+s2] =	stream.linear.scatter [tilespmem:s2], [sflag:$0x3], $0x8000, $0x38;
	[tilespmem:$0x10000] =	vst v63  }
0x1a: {  	_ = 	snop  }
0x1b: {  	[hbm4b:s7+s2] =	stream.linear.scatter [tilespmem:s2], [sflag:$0x3], $0x8000, $0x38;
	[tilespmem:$0x10000] =	vst v63  }
0x1c: {  	_ = 	snop  }
0x1d: {  	[hbm4b:s8+s2] =	stream.linear.scatter [tilespmem:s2], [sflag:$0x3], $0x8000, $0x38;
	[tilespmem:$0x10000] =	vst v63  }
0x1e: {  	_ =	swait.ge [sflag:s20], $0x8000  }
0x1f: {  	[sflag:s20] =	ssyncset.done $0x0  }
0x20: {  	[sflag:s20] =	ssyncadd.s32 $0xFFFF8000  }
0x21: {  	_ =	swait.ge [sflag:s21], $0x8000  }
0x22: {  	[sflag:s21] =	ssyncset.done $0x0  }
0x23: {  	[sflag:s21] =	ssyncadd.s32 $0xFFFF8000  }
0x24: {  	_ =	swait.ge [sflag:s21], $0x8000  }
0x25: {  	[sflag:s21] =	ssyncset.done $0x0  }
0x26: {  	[sflag:s21] =	ssyncadd.s32 $0xFFFF8000  }
0x27: {  	_ =	swait.ge [sflag:s21], $0x8000  }
0x28: {  	[sflag:s21] =	ssyncset.done $0x0  }
0x29: {  	[sflag:s21] =	ssyncadd.s32 $0xFFFF8000  }
0x2a: {  	_ =	swait.ge [sflag:s21], $0x8000  }
0x2b: {  	s24 =	sadd.s32 $0x0, s15;
	[sflag:s21] =	ssyncset.done $0x0  }
0x2c: {  	s26 =	sadd.s32 $0x0, s14;
	s25 =	sadd.s32 $0x2000, s24;
	[sflag:s21] =	ssyncadd.s32 $0xFFFF8000  }
0x2d: {  	[tilespmem:s2], [sflag:$0x1] =	stream.linear.gather [hbm4b:s25+s2], $0x8000, $0x38;
	[tilespmem:$0x10000] =	vst v63  }
0x2e: {  	s29 =	sadd.s32 $0x1000, s26  }
0x2f: {  	[hbm4b:s29+s2] =	stream.linear.scatter [tilespmem:s19], [sflag:$0x4], $0x8000, $0x38;
	[tilespmem:$0x10000] =	vst v63  }
0x30: {  	s30 =	sadd.s32 $0x101000, s26  }
0x31: {  	[hbm4b:s30+s2] =	stream.linear.scatter [tilespmem:s19], [sflag:$0x4], $0x8000, $0x38;
	[tilespmem:$0x10000] =	vst v63  }
0x32: {  	s31 =	sadd.s32 $0x201000, s26  }
0x33: {  	[hbm4b:s31+s2] =	stream.linear.scatter [tilespmem:s19], [sflag:$0x4], $0x8000, $0x38;
	[tilespmem:$0x10000] =	vst v63  }
0x34: {  	s28 =	sadd.s32 $0x301000, s26  }
0x35: {  	[hbm4b:s28+s2] =	stream.linear.scatter [tilespmem:s19], [sflag:$0x4], $0x8000, $0x38;
	[tilespmem:$0x10000] =	vst v63  }
0x36: {  	_ =	swait.ge [sflag:s18], $0x8000  }
0x37: {  	[sflag:s18] =	ssyncset.done $0x0  }
0x38: {  	[sflag:s18] =	ssyncadd.s32 $0xFFFF8000  }
0x39: {  	_ =	swait.ge [sflag:s22], $0x8000  }
0x3a: {  	[sflag:s22] =	ssyncset.done $0x0  }
0x3b: {  	[sflag:s22] =	ssyncadd.s32 $0xFFFF8000  }
0x3c: {  	_ =	swait.ge [sflag:s22], $0x8000  }
0x3d: {  	[sflag:s22] =	ssyncset.done $0x0  }
0x3e: {  	[sflag:s22] =	ssyncadd.s32 $0xFFFF8000  }
0x3f: {  	_ =	swait.ge [sflag:s22], $0x8000  }
0x40: {  	[sflag:s22] =	ssyncset.done $0x0  }
0x41: {  	[sflag:s22] =	ssyncadd.s32 $0xFFFF8000  }
0x42: {  	_ =	swait.ge [sflag:s22], $0x8000  }
0x43: {  	[sflag:s22] =	ssyncset.done $0x0  }
0x44: {  	s24 =	sadd.s32 $0x3000, s24;
	[sflag:s22] =	ssyncadd.s32 $0xFFFF8000  }
0x45: {  	[tilespmem:s19], [sflag:$0x2] =	stream.linear.gather [hbm4b:s24+s2], $0x8000, $0x38;
	[tilespmem:$0x10000] =	vst v63  }
0x46: {  	s29 =	sadd.s32 $0x2000, s26  }
0x47: {  	[hbm4b:s29+s2] =	stream.linear.scatter [tilespmem:s2], [sflag:$0x3], $0x8000, $0x38;
	[tilespmem:$0x10000] =	vst v63  }
0x48: {  	s30 =	sadd.s32 $0x0, s16  }
0x49: {  	[hbm4b:s30+s2] =	stream.linear.scatter [tilespmem:s2], [sflag:$0x3], $0x8000, $0x38;
	[tilespmem:$0x10000] =	vst v63  }
0x4a: {  	s25 =	sadd.s32 $0x0, s17;
	s31 =	sadd.s32 $0x202000, s26;
	s24 =	simm.s32 $0x2000  }
0x4b: {  	[hbm4b:s31+s2] =	stream.linear.scatter [tilespmem:s2], [sflag:$0x3], $0x8000, $0x38;
	[tilespmem:$0x10000] =	vst v63  }
.LBB2_2:
0x4c: {  	[hbm4b:s25+s2] =	stream.linear.scatter [tilespmem:s2], [sflag:$0x3], $0x8000, $0x38;
	[tilespmem:$0x10000] =	vst v63  }
0x4d: {  	s25 =	smov.u32 s24  }
0x4e: {  	p0 =	sne.s32 s24, $0x4000;
	s24 =	sadd.s32 $0x2000, s24;
	_ =	swait.ge [sflag:s20], $0x8000  }
0x4f: {  	[sflag:s20] =	ssyncset.done $0x0  }
0x50: {  	[sflag:s20] =	ssyncadd.s32 $0xFFFF8000  }
0x51: {  	_ =	swait.ge [sflag:s21], $0x8000  }
0x52: {  	[sflag:s21] =	ssyncset.done $0x0  }
0x53: {  	[sflag:s21] =	ssyncadd.s32 $0xFFFF8000  }
0x54: {  	_ =	swait.ge [sflag:s21], $0x8000  }
0x55: {  	[sflag:s21] =	ssyncset.done $0x0  }
0x56: {  	[sflag:s21] =	ssyncadd.s32 $0xFFFF8000  }
0x57: {  	_ =	swait.ge [sflag:s21], $0x8000  }
0x58: {  	[sflag:s21] =	ssyncset.done $0x0  }
0x59: {  	[sflag:s21] =	ssyncadd.s32 $0xFFFF8000  }
0x5a: {  	_ =	swait.ge [sflag:s21], $0x8000  }
0x5b: {  	s26 =	sadd.s32 s25, s15;
	[sflag:s21] =	ssyncset.done $0x0  }
0x5c: {  	s29 =	sadd.s32 s25, s14;
	s28 =	sadd.s32 $0x2000, s26;
	[sflag:s21] =	ssyncadd.s32 $0xFFFF8000  }
0x5d: {  	[tilespmem:s2], [sflag:$0x1] =	stream.linear.gather [hbm4b:s28+s2], $0x8000, $0x38;
	[tilespmem:$0x10000] =	vst v63  }
0x5e: {  	s28 =	sadd.s32 $0x1000, s29  }
0x5f: {  	[hbm4b:s28+s2] =	stream.linear.scatter [tilespmem:s19], [sflag:$0x4], $0x8000, $0x38;
	[tilespmem:$0x10000] =	vst v63  }
0x60: {  	s28 =	sadd.s32 $0x101000, s29  }
0x61: {  	[hbm4b:s28+s2] =	stream.linear.scatter [tilespmem:s19], [sflag:$0x4], $0x8000, $0x38;
	[tilespmem:$0x10000] =	vst v63  }
0x62: {  	s28 =	sadd.s32 $0x201000, s29  }
0x63: {  	[hbm4b:s28+s2] =	stream.linear.scatter [tilespmem:s19], [sflag:$0x4], $0x8000, $0x38;
	[tilespmem:$0x10000] =	vst v63  }
0x64: {  	s28 =	sadd.s32 $0x301000, s29  }
0x65: {  	[hbm4b:s28+s2] =	stream.linear.scatter [tilespmem:s19], [sflag:$0x4], $0x8000, $0x38;
	[tilespmem:$0x10000] =	vst v63  }
0x66: {  	_ =	swait.ge [sflag:s18], $0x8000  }
0x67: {  	[sflag:s18] =	ssyncset.done $0x0  }
0x68: {  	[sflag:s18] =	ssyncadd.s32 $0xFFFF8000  }
0x69: {  	_ =	swait.ge [sflag:s22], $0x8000  }
0x6a: {  	[sflag:s22] =	ssyncset.done $0x0  }
0x6b: {  	[sflag:s22] =	ssyncadd.s32 $0xFFFF8000  }
0x6c: {  	_ =	swait.ge [sflag:s22], $0x8000  }
0x6d: {  	[sflag:s22] =	ssyncset.done $0x0  }
0x6e: {  	[sflag:s22] =	ssyncadd.s32 $0xFFFF8000  }
0x6f: {  	_ =	swait.ge [sflag:s22], $0x8000  }
0x70: {  	[sflag:s22] =	ssyncset.done $0x0  }
0x71: {  	[sflag:s22] =	ssyncadd.s32 $0xFFFF8000  }
0x72: {  	_ =	swait.ge [sflag:s22], $0x8000  }
0x73: {  	[sflag:s22] =	ssyncset.done $0x0  }
0x74: {  	s26 =	sadd.s32 $0x3000, s26;
	[sflag:s22] =	ssyncadd.s32 $0xFFFF8000  }
0x75: {  	[tilespmem:s19], [sflag:$0x2] =	stream.linear.gather [hbm4b:s26+s2], $0x8000, $0x38;
	[tilespmem:$0x10000] =	vst v63  }
0x76: {  	s26 =	sadd.s32 $0x2000, s29  }
0x77: {  	[hbm4b:s26+s2] =	stream.linear.scatter [tilespmem:s2], [sflag:$0x3], $0x8000, $0x38;
	[tilespmem:$0x10000] =	vst v63  }
.Ltmp0:
0x78: {  	s26 =	sadd.s32 s25, s16;
	(pc) =	sbr.rel @p0 .LBB2_2-.Ltmp0, $4  }
0x79: {  	[hbm4b:s26+s2] =	stream.linear.scatter [tilespmem:s2], [sflag:$0x3], $0x8000, $0x38;
	[tilespmem:$0x10000] =	vst v63  }
0x7a: {  	s26 =	sadd.s32 $0x202000, s29  }
0x7b: {  	[hbm4b:s26+s2] =	stream.linear.scatter [tilespmem:s2], [sflag:$0x3], $0x8000, $0x38;
	[tilespmem:$0x10000] =	vst v63  }
0x7c: {  	s25 =	sadd.s32 s25, s17  }
0x7d: {  	[hbm4b:s25+s2] =	stream.linear.scatter [tilespmem:s2], [sflag:$0x3], $0x8000, $0x38;
	[tilespmem:$0x10000] =	vst v63  }
0x7e: {  	_ =	swait.ge [sflag:s20], $0x8000  }
0x7f: {  	[sflag:s20] =	ssyncset.done $0x0  }
0x80: {  	[sflag:s20] =	ssyncadd.s32 $0xFFFF8000  }
0x81: {  	_ =	swait.ge [sflag:s21], $0x8000  }
0x82: {  	[sflag:s21] =	ssyncset.done $0x0  }
0x83: {  	[sflag:s21] =	ssyncadd.s32 $0xFFFF8000  }
0x84: {  	_ =	swait.ge [sflag:s21], $0x8000  }
0x85: {  	[sflag:s21] =	ssyncset.done $0x0  }
0x86: {  	[sflag:s21] =	ssyncadd.s32 $0xFFFF8000  }
0x87: {  	_ =	swait.ge [sflag:s21], $0x8000  }
0x88: {  	[sflag:s21] =	ssyncset.done $0x0  }
0x89: {  	[sflag:s21] =	ssyncadd.s32 $0xFFFF8000  }
0x8a: {  	_ =	swait.ge [sflag:s21], $0x8000  }
0x8b: {  	[sflag:s21] =	ssyncset.done $0x0  }
0x8c: {  	[sflag:s21] =	ssyncadd.s32 $0xFFFF8000  }
0x8d: {  	[hbm4b:s9+s2] =	stream.linear.scatter [tilespmem:s19], [sflag:$0x4], $0x8000, $0x38;
	[tilespmem:$0x10000] =	vst v63  }
0x8e: {  	_ = 	snop  }
0x8f: {  	[hbm4b:s10+s2] =	stream.linear.scatter [tilespmem:s19], [sflag:$0x4], $0x8000, $0x38;
	[tilespmem:$0x10000] =	vst v63  }
0x90: {  	_ = 	snop  }
0x91: {  	[hbm4b:s11+s2] =	stream.linear.scatter [tilespmem:s19], [sflag:$0x4], $0x8000, $0x38;
	[tilespmem:$0x10000] =	vst v63  }
0x92: {  	_ = 	snop  }
0x93: {  	[hbm4b:s12+s2] =	stream.linear.scatter [tilespmem:s19], [sflag:$0x4], $0x8000, $0x38;
	[tilespmem:$0x10000] =	vst v63  }
0x94: {  	_ =	swait.ge [sflag:s22], $0x8000  }
0x95: {  	[sflag:s22] =	ssyncset.done $0x0  }
0x96: {  	[sflag:s22] =	ssyncadd.s32 $0xFFFF8000  }
0x97: {  	_ =	swait.ge [sflag:s22], $0x8000  }
0x98: {  	[sflag:s22] =	ssyncset.done $0x0  }
0x99: {  	s23 =	sadd.s32 $0x1, s23;
	[sflag:s22] =	ssyncadd.s32 $0xFFFF8000  }
0x9a: {  	p0 =	sne.s32 s23, s13;
	_ =	swait.ge [sflag:s22], $0x8000  }
.Ltmp1:
0x9b: {  	[sflag:s22] =	ssyncset.done $0x0;
	(pc) =	sbr.rel @p0 .LBB2_1-.Ltmp1, $4  }
0x9c: {  	[sflag:s22] =	ssyncadd.s32 $0xFFFF8000  }
0x9d: {  	_ =	swait.ge [sflag:s22], $0x8000  }
0x9e: {  	[sflag:s22] =	ssyncset.done $0x0  }
0x9f: {  	[sflag:s22] =	ssyncadd.s32 $0xFFFF8000  }
0xa0: {  	_ =	sfence.sel $0x180000  }
0xa1: {  	[bflag:$0x0] =	sbarrier.arrive $0xFFFF  }
0xa2: {  	p0 =	sne.s32 s1, $0x0;
	_ =	strace $0x90000047  }
0xa3: {  	s0 =	sadd.s32 @!p0 $0x100000, s0;
	[bflag:$0x2] =	sbarrier.arrive $0xFFFF  }
0xa4: {  	[sflag:s0] =	ssyncadd.tile.s32 @!p0 $0x1;
	_ =	shalt  }
.Lfunc_end2:
_tile_overlayer_lowered:
.L_overlay_start_2:
0xa5: {  	(tag) =	ssettag $0x2  }
0xa6: {  	s0 =	rddreg [dreg:$0x0];
	s2 =	stileid.u32  }
0xa7: {  	s1 =	rddreg [dreg:$0x1];
	p0 =	sne.s32 s2, $0x0  }
0xa8: {  	s3 =	rddreg [dreg:$0x2];
	[bflag:$0x3] =	sbarrier.arrive $0xFFFF;
	s2 =	simm.s32 @!p0 $0x1C05  }
0xa9: {  	[timem:s3], [sflag:s2] =	dma.local @!p0 [hbm:s0], s1  }
0xaa: {  	s0 =	simm.s32 @!p0 $0x5  }
0xab: {  	_ =	swait.ge @!p0 [sflag:s0], s1  }
0xac: {  	s1 =	ssub.s32 @!p0 $0x0, s1;
	[sflag:s0] =	ssyncset.done @!p0 $0x0  }
0xad: {  	[sflag:s0] =	ssyncadd.s32 @!p0 s1  }
0xae: {  	[bflag:$0x3] =	sbarrier.arrive $0xFFFF  }
0xaf: {  	_ =	shalt  }

</sc_bundles>
